<compile_context>
chip_gen: v7x
topology: tpu7x:2x2x1
jax: 0.10.2.dev20260603
libtpu: 0.0.44.dev20260713+nightly
codegen_flags: <defaults>
</compile_context>

<pallas_src>
import functools

import jax
import jax.numpy as jnp
from jax import lax
from jax.experimental import pallas as pl
from jax.experimental.pallas import tpu as pltpu
from jax.experimental.pallas import tpu_sc as plsc

_TOPK = 2


def _sc_gather(table, idx, chunk=64):
    V, D = table.shape
    (P,) = idx.shape
    info = plsc.get_sparse_core_info()
    NW = info.num_cores * info.num_subcores
    per_w = P // NW
    n_chunks = per_w // chunk
    mesh = plsc.VectorSubcoreMesh(core_axis_name="c", subcore_axis_name="s")

    @functools.partial(
        pl.kernel,
        mesh=mesh,
        out_type=jax.ShapeDtypeStruct((P, D), table.dtype),
        scratch_types=[
            pltpu.VMEM((chunk,), jnp.int32),
            pltpu.VMEM((chunk, D), table.dtype),
            pltpu.SemaphoreType.DMA,
        ],
    )
    def k(table_hbm, idx_hbm, out_hbm, idx_v, rows_v, sem):
        wid = lax.axis_index("s") * info.num_cores + lax.axis_index("c")
        base = wid * per_w
        for ch in range(n_chunks):
            off = base + ch * chunk
            pltpu.sync_copy(idx_hbm.at[pl.ds(off, chunk)], idx_v)
            pltpu.async_copy(table_hbm.at[idx_v], rows_v, sem).wait()
            pltpu.sync_copy(rows_v, out_hbm.at[pl.ds(off, chunk)])

    return k(table, idx)


def _grouped_ffn_body(tile_r, lo_r, hi_r, te_r, xg_ref, gw_ref, uw_ref, dw_ref,
                      out_ref, *, m):
    i = pl.program_id(0)
    s = pl.program_id(1)
    tile = tile_r[s]
    lo = lo_r[s]
    hi = hi_r[s]

    xb = xg_ref[pl.ds(tile * m, m), :].astype(jnp.float32)
    gw = gw_ref[0]
    uw = uw_ref[0]
    dw = dw_ref[0]

    dn = (((1,), (1,)), ((), ()))
    g = jax.lax.dot_general(xb, gw, dn, preferred_element_type=jnp.float32)
    u = jax.lax.dot_general(xb, uw, dn, preferred_element_type=jnp.float32)
    h = jax.nn.silu(g) * u

    contrib = jax.lax.dot_general(h, dw, dn, preferred_element_type=jnp.float32)

    row = jax.lax.broadcasted_iota(jnp.int32, (m, 1), 0)
    contrib = jnp.where((row >= lo) & (row < hi), contrib, 0.0)

    @pl.when((i == 0) & (lo == 0))
    def _set():
        out_ref[pl.ds(tile * m, m), :] = contrib

    @pl.when((i > 0) | (lo > 0))
    def _acc():
        out_ref[pl.ds(tile * m, m), :] += contrib


def kernel(x, router_w, router_b, gate_w, up_w, down_w):
    B, S, D = x.shape
    E, DI, _ = gate_w.shape
    N = B * S
    P = N * _TOPK
    xf = x.reshape(N, D)

    logits = xf @ router_w.T + router_b
    probs = jax.nn.softmax(logits, axis=-1)
    topk_p, topk_i = jax.lax.top_k(probs, _TOPK)
    topk_p = topk_p / jnp.sum(topk_p, axis=-1, keepdims=True)

    ei = topk_i.reshape(P).astype(jnp.int32)
    wv = topk_p.reshape(P)
    tok = (jnp.arange(P, dtype=jnp.int32) // _TOPK)

    M = 256
    NSEG = P // M + E
    order = jnp.argsort(ei)
    stok = tok[order]
    counts = jnp.bincount(ei, length=E)
    gend = jnp.cumsum(counts).astype(jnp.int32)
    gstart = jnp.concatenate([jnp.zeros((1,), jnp.int32), gend[:-1]])

    bps = jnp.sort(
        jnp.concatenate([jnp.arange(P // M, dtype=jnp.int32) * M, gstart])
    )
    ends = jnp.concatenate([bps[1:], jnp.full((1,), P, jnp.int32)])
    seg_tile = bps // M
    seg_lo = bps - seg_tile * M
    seg_hi = ends - seg_tile * M
    seg_te = jnp.minimum(
        jnp.searchsorted(gend, bps, side="right"), E - 1
    ).astype(jnp.int32)

    xg = _sc_gather(xf, stok).astype(jnp.bfloat16)

    Ki = min(512, DI)
    NI = DI // Ki

    grid_spec = pltpu.PrefetchScalarGridSpec(
        num_scalar_prefetch=4,
        grid=(NI, NSEG),
        in_specs=[
            pl.BlockSpec((P, D), lambda i, s, t_r, l_r, h_r, e_r: (0, 0)),
            pl.BlockSpec((1, Ki, D), lambda i, s, t_r, l_r, h_r, e_r: (e_r[s], i, 0)),
            pl.BlockSpec((1, Ki, D), lambda i, s, t_r, l_r, h_r, e_r: (e_r[s], i, 0)),
            pl.BlockSpec((1, D, Ki), lambda i, s, t_r, l_r, h_r, e_r: (e_r[s], 0, i)),
        ],
        out_specs=pl.BlockSpec((P, D), lambda i, s, t_r, l_r, h_r, e_r: (0, 0)),
    )

    yg = pl.pallas_call(
        functools.partial(_grouped_ffn_body, m=M),
        grid_spec=grid_spec,
        out_shape=jax.ShapeDtypeStruct((P, D), jnp.float32),
        compiler_params=pltpu.CompilerParams(vmem_limit_bytes=67108864),
    )(seg_tile, seg_lo, seg_hi, seg_te, xg, gate_w, up_w, down_w)

    posp = jnp.zeros((P,), jnp.int32).at[order].set(jnp.arange(P, dtype=jnp.int32))
    y = (wv[:, None] * yg[posp]).reshape(N, _TOPK, D).sum(axis=1)
    return y.reshape(B, S, D)

# --- scband reference (transcript-rebuilt; emitter-appended) ---
"""Pipeline reference for scband-mo-effn-83811991814246 (READ-ONLY COPY).

The authoritative reference and input builder live on the scoring server;
editing this copy changes nothing except your own understanding.
"""

import jax, jax.numpy as jnp
import numpy as np

B, S, D_MODEL, D_INNER, E, TOPK = 2, 2048, 1024, 4096, 8, 2

def setup_inputs(seed: int = 0) -> dict:
    key = jax.random.key(seed)
    ks = jax.random.split(key, 6)
    x = jax.random.normal(ks[0], (B, S, D_MODEL), dtype=jnp.float32)
    # router: nn.Linear(d_model, n_experts) with bias (kaiming/linear init ~ normal)
    router_w = jax.random.normal(ks[1], (E, D_MODEL), dtype=jnp.float32) / np.sqrt(D_MODEL)
    router_b = jnp.zeros((E,), dtype=jnp.float32)
    # per-expert FFN weights, init std = 1/sqrt(fan_in) as in _reset_parameters
    gate_w = jax.random.normal(ks[2], (E, D_INNER, D_MODEL), dtype=jnp.float32) / np.sqrt(D_MODEL)
    up_w = jax.random.normal(ks[3], (E, D_INNER, D_MODEL), dtype=jnp.float32) / np.sqrt(D_MODEL)
    down_w = jax.random.normal(ks[4], (E, D_MODEL, D_INNER), dtype=jnp.float32) / np.sqrt(D_INNER)
    return {"x": x, "router_w": router_w, "router_b": router_b,
            "gate_w": gate_w, "up_w": up_w, "down_w": down_w}

def reference(x, router_w, router_b, gate_w, up_w, down_w):
    # router + softmax + top-k with renormalization (faithful to torch module)
    logits = jnp.einsum('bsd,ed->bse', x, router_w) + router_b
    probs = jax.nn.softmax(logits, axis=-1)
    topk_p, topk_i = jax.lax.top_k(probs, TOPK)
    topk_p = topk_p / jnp.sum(topk_p, axis=-1, keepdims=True)
    # combine weights per expert: sum_k topk_p[...,k] * onehot(topk_i[...,k])
    combine = jnp.sum(topk_p[..., None] * jax.nn.one_hot(topk_i, E, dtype=x.dtype), axis=-2)  # [B,S,E]
    out = jnp.zeros_like(x)
    for e in range(E):
        h = jax.nn.silu(jnp.einsum('bsd,id->bsi', x, gate_w[e])) * jnp.einsum('bsd,id->bsi', x, up_w[e])
        out = out + combine[..., e:e + 1] * jnp.einsum('bsi,di->bsd', h, down_w[e])
    return out

if __name__ == "__main__":
    import jax
    _d = setup_inputs()
    print(jax.jit(kernel)(*tuple(_d.values())))

</pallas_src>

<mosaic_0001>
#map = affine_map<(d0, d1) -> (0, 0)>
#map1 = affine_map<(d0, d1) -> (0)>
module attributes {stable_mosaic.version = 14 : i64} {
  func.func @k(%arg0: i32, %arg1: i32, %arg2: memref<4096x1024xf32, #tpu.memory_space<hbm>>, %arg3: memref<8192xi32, #tpu.memory_space<hbm>>, %arg4: memref<8192x1024xf32, #tpu.memory_space<hbm>>, %arg5: memref<64xi32, #tpu.memory_space<vmem>>, %arg6: memref<64x1024xf32, #tpu.memory_space<vmem>>, %arg7: memref<!tpu.dma_semaphore, #tpu.memory_space<semaphore_mem>>) attributes {dimension_semantics = [#tpu.dimension_semantics<core_parallel>, #tpu.dimension_semantics<subcore_parallel>], iteration_bounds = array<i64: 2, 16>, scalar_prefetch = 0 : i64, scratch_operands = 3 : i64, tpu.core_type = #tpu.core_type<sc_vector_subcore>, window_params = [{transform_indices = #map}, {transform_indices = #map1}, {transform_indices = #map}]} {
    %mul3A = arith.constant 2 : i32
    %mul3A_0 = arith.muli %arg1, %mul3A : i32
    %add3A = arith.addi %mul3A_0, %arg0 : i32
    %mul3A_1 = arith.constant 256 : i32
    %mul3A_2 = arith.muli %add3A, %mul3A_1 : i32
    %add3A_3 = arith.constant 0 : i32
    %add3A_4 = arith.addi %mul3A_2, %add3A_3 : i32
    "tpu.region"() ({
      %run_scoped3A = tpu.sem_alloc : memref<!tpu.dma_semaphore, #tpu.memory_space<semaphore_mem>>
      %dma_start3A_33 = tpu.memref_slice %arg3[%add3A_4] : memref<8192xi32, #tpu.memory_space<hbm>> -> memref<64xi32, #tpu.memory_space<hbm>>
      %dma_start3A_34 = tpu.memref_slice %arg3[%add3A_4] : memref<8192xi32, #tpu.memory_space<hbm>> -> memref<64xi32, #tpu.memory_space<hbm>>
      tpu.enqueue_dma source(%dma_start3A_34 : memref<64xi32, #tpu.memory_space<hbm>>) target(%arg5 : memref<64xi32, #tpu.memory_space<vmem>>) target_semaphore(%run_scoped3A : memref<!tpu.dma_semaphore, #tpu.memory_space<semaphore_mem>>)
      %dma_wait3A_35 = tpu.memref_slice %arg3[%add3A_4] : memref<8192xi32, #tpu.memory_space<hbm>> -> memref<64xi32, #tpu.memory_space<hbm>>
      %dma_wait3A_36 = tpu.memref_slice %arg3[%add3A_4] : memref<8192xi32, #tpu.memory_space<hbm>> -> memref<64xi32, #tpu.memory_space<hbm>>
      tpu.wait_dma2 semaphore(%run_scoped3A : memref<!tpu.dma_semaphore, #tpu.memory_space<semaphore_mem>>) src(%dma_wait3A_36 : memref<64xi32, #tpu.memory_space<hbm>>) dst(%arg5 : memref<64xi32, #tpu.memory_space<vmem>>)
      tpu.yield
    }) : () -> ()
    %dma_start3A = arith.constant 0 : i32
    %dma_start3A_5 = arith.constant 0 : i32
    %dma_start3A_6 = tpu.memref_slice %arg2[%dma_start3A, %dma_start3A_5] : memref<4096x1024xf32, #tpu.memory_space<hbm>> -> memref<4096x1024xf32, #tpu.memory_space<hbm>>
    tpu.enqueue_indirect_dma source(%dma_start3A_6 : memref<4096x1024xf32, #tpu.memory_space<hbm>>) target(%arg6 : memref<64x1024xf32, #tpu.memory_space<vmem>>) offsets(%arg5 : memref<64xi32, #tpu.memory_space<vmem>>) semaphore(%arg7 : memref<!tpu.dma_semaphore, #tpu.memory_space<semaphore_mem>>)
    %dma_wait3A = arith.constant 0 : i32
    %dma_wait3A_7 = arith.constant 0 : i32
    %dma_wait3A_8 = tpu.memref_slice %arg2[%dma_wait3A, %dma_wait3A_7] : memref<4096x1024xf32, #tpu.memory_space<hbm>> -> memref<4096x1024xf32, #tpu.memory_space<hbm>>
    tpu.wait_indirect_dma semaphore(%arg7 : memref<!tpu.dma_semaphore, #tpu.memory_space<semaphore_mem>>) src(%dma_wait3A_8 : memref<4096x1024xf32, #tpu.memory_space<hbm>>) dst(%arg6 : memref<64x1024xf32, #tpu.memory_space<vmem>>)
    "tpu.region"() ({
      %run_scoped3A = tpu.sem_alloc : memref<!tpu.dma_semaphore, #tpu.memory_space<semaphore_mem>>
      %dma_start3A_33 = arith.constant 0 : i32
      %dma_start3A_34 = tpu.memref_slice %arg4[%add3A_4, %dma_start3A_33] : memref<8192x1024xf32, #tpu.memory_space<hbm>> -> memref<64x1024xf32, #tpu.memory_space<hbm>>
      %dma_start3A_35 = arith.constant 0 : i32
      %dma_start3A_36 = tpu.memref_slice %arg4[%add3A_4, %dma_start3A_35] : memref<8192x1024xf32, #tpu.memory_space<hbm>> -> memref<64x1024xf32, #tpu.memory_space<hbm>>
      tpu.enqueue_dma source(%arg6 : memref<64x1024xf32, #tpu.memory_space<vmem>>) target(%dma_start3A_36 : memref<64x1024xf32, #tpu.memory_space<hbm>>) target_semaphore(%run_scoped3A : memref<!tpu.dma_semaphore, #tpu.memory_space<semaphore_mem>>)
      %dma_wait3A_37 = arith.constant 0 : i32
      %dma_wait3A_38 = tpu.memref_slice %arg4[%add3A_4, %dma_wait3A_37] : memref<8192x1024xf32, #tpu.memory_space<hbm>> -> memref<64x1024xf32, #tpu.memory_space<hbm>>
      %dma_wait3A_39 = arith.constant 0 : i32
      %dma_wait3A_40 = tpu.memref_slice %arg4[%add3A_4, %dma_wait3A_39] : memref<8192x1024xf32, #tpu.memory_space<hbm>> -> memref<64x1024xf32, #tpu.memory_space<hbm>>
      tpu.wait_dma2 semaphore(%run_scoped3A : memref<!tpu.dma_semaphore, #tpu.memory_space<semaphore_mem>>) src(%arg6 : memref<64x1024xf32, #tpu.memory_space<vmem>>) dst(%dma_wait3A_40 : memref<64x1024xf32, #tpu.memory_space<hbm>>)
      tpu.yield
    }) : () -> ()
    %add3A_9 = arith.constant 64 : i32
    %add3A_10 = arith.addi %mul3A_2, %add3A_9 : i32
    "tpu.region"() ({
      %run_scoped3A = tpu.sem_alloc : memref<!tpu.dma_semaphore, #tpu.memory_space<semaphore_mem>>
      %dma_start3A_33 = tpu.memref_slice %arg3[%add3A_10] : memref<8192xi32, #tpu.memory_space<hbm>> -> memref<64xi32, #tpu.memory_space<hbm>>
      %dma_start3A_34 = tpu.memref_slice %arg3[%add3A_10] : memref<8192xi32, #tpu.memory_space<hbm>> -> memref<64xi32, #tpu.memory_space<hbm>>
      tpu.enqueue_dma source(%dma_start3A_34 : memref<64xi32, #tpu.memory_space<hbm>>) target(%arg5 : memref<64xi32, #tpu.memory_space<vmem>>) target_semaphore(%run_scoped3A : memref<!tpu.dma_semaphore, #tpu.memory_space<semaphore_mem>>)
      %dma_wait3A_35 = tpu.memref_slice %arg3[%add3A_10] : memref<8192xi32, #tpu.memory_space<hbm>> -> memref<64xi32, #tpu.memory_space<hbm>>
      %dma_wait3A_36 = tpu.memref_slice %arg3[%add3A_10] : memref<8192xi32, #tpu.memory_space<hbm>> -> memref<64xi32, #tpu.memory_space<hbm>>
      tpu.wait_dma2 semaphore(%run_scoped3A : memref<!tpu.dma_semaphore, #tpu.memory_space<semaphore_mem>>) src(%dma_wait3A_36 : memref<64xi32, #tpu.memory_space<hbm>>) dst(%arg5 : memref<64xi32, #tpu.memory_space<vmem>>)
      tpu.yield
    }) : () -> ()
    %dma_start3A_11 = arith.constant 0 : i32
    %dma_start3A_12 = arith.constant 0 : i32
    %dma_start3A_13 = tpu.memref_slice %arg2[%dma_start3A_11, %dma_start3A_12] : memref<4096x1024xf32, #tpu.memory_space<hbm>> -> memref<4096x1024xf32, #tpu.memory_space<hbm>>
    tpu.enqueue_indirect_dma source(%dma_start3A_13 : memref<4096x1024xf32, #tpu.memory_space<hbm>>) target(%arg6 : memref<64x1024xf32, #tpu.memory_space<vmem>>) offsets(%arg5 : memref<64xi32, #tpu.memory_space<vmem>>) semaphore(%arg7 : memref<!tpu.dma_semaphore, #tpu.memory_space<semaphore_mem>>)
    %dma_wait3A_14 = arith.constant 0 : i32
    %dma_wait3A_15 = arith.constant 0 : i32
    %dma_wait3A_16 = tpu.memref_slice %arg2[%dma_wait3A_14, %dma_wait3A_15] : memref<4096x1024xf32, #tpu.memory_space<hbm>> -> memref<4096x1024xf32, #tpu.memory_space<hbm>>
    tpu.wait_indirect_dma semaphore(%arg7 : memref<!tpu.dma_semaphore, #tpu.memory_space<semaphore_mem>>) src(%dma_wait3A_16 : memref<4096x1024xf32, #tpu.memory_space<hbm>>) dst(%arg6 : memref<64x1024xf32, #tpu.memory_space<vmem>>)
    "tpu.region"() ({
      %run_scoped3A = tpu.sem_alloc : memref<!tpu.dma_semaphore, #tpu.memory_space<semaphore_mem>>
      %dma_start3A_33 = arith.constant 0 : i32
      %dma_start3A_34 = tpu.memref_slice %arg4[%add3A_10, %dma_start3A_33] : memref<8192x1024xf32, #tpu.memory_space<hbm>> -> memref<64x1024xf32, #tpu.memory_space<hbm>>
      %dma_start3A_35 = arith.constant 0 : i32
      %dma_start3A_36 = tpu.memref_slice %arg4[%add3A_10, %dma_start3A_35] : memref<8192x1024xf32, #tpu.memory_space<hbm>> -> memref<64x1024xf32, #tpu.memory_space<hbm>>
      tpu.enqueue_dma source(%arg6 : memref<64x1024xf32, #tpu.memory_space<vmem>>) target(%dma_start3A_36 : memref<64x1024xf32, #tpu.memory_space<hbm>>) target_semaphore(%run_scoped3A : memref<!tpu.dma_semaphore, #tpu.memory_space<semaphore_mem>>)
      %dma_wait3A_37 = arith.constant 0 : i32
      %dma_wait3A_38 = tpu.memref_slice %arg4[%add3A_10, %dma_wait3A_37] : memref<8192x1024xf32, #tpu.memory_space<hbm>> -> memref<64x1024xf32, #tpu.memory_space<hbm>>
      %dma_wait3A_39 = arith.constant 0 : i32
      %dma_wait3A_40 = tpu.memref_slice %arg4[%add3A_10, %dma_wait3A_39] : memref<8192x1024xf32, #tpu.memory_space<hbm>> -> memref<64x1024xf32, #tpu.memory_space<hbm>>
      tpu.wait_dma2 semaphore(%run_scoped3A : memref<!tpu.dma_semaphore, #tpu.memory_space<semaphore_mem>>) src(%arg6 : memref<64x1024xf32, #tpu.memory_space<vmem>>) dst(%dma_wait3A_40 : memref<64x1024xf32, #tpu.memory_space<hbm>>)
      tpu.yield
    }) : () -> ()
    %add3A_17 = arith.constant 128 : i32
    %add3A_18 = arith.addi %mul3A_2, %add3A_17 : i32
    "tpu.region"() ({
      %run_scoped3A = tpu.sem_alloc : memref<!tpu.dma_semaphore, #tpu.memory_space<semaphore_mem>>
      %dma_start3A_33 = tpu.memref_slice %arg3[%add3A_18] : memref<8192xi32, #tpu.memory_space<hbm>> -> memref<64xi32, #tpu.memory_space<hbm>>
      %dma_start3A_34 = tpu.memref_slice %arg3[%add3A_18] : memref<8192xi32, #tpu.memory_space<hbm>> -> memref<64xi32, #tpu.memory_space<hbm>>
      tpu.enqueue_dma source(%dma_start3A_34 : memref<64xi32, #tpu.memory_space<hbm>>) target(%arg5 : memref<64xi32, #tpu.memory_space<vmem>>) target_semaphore(%run_scoped3A : memref<!tpu.dma_semaphore, #tpu.memory_space<semaphore_mem>>)
      %dma_wait3A_35 = tpu.memref_slice %arg3[%add3A_18] : memref<8192xi32, #tpu.memory_space<hbm>> -> memref<64xi32, #tpu.memory_space<hbm>>
      %dma_wait3A_36 = tpu.memref_slice %arg3[%add3A_18] : memref<8192xi32, #tpu.memory_space<hbm>> -> memref<64xi32, #tpu.memory_space<hbm>>
      tpu.wait_dma2 semaphore(%run_scoped3A : memref<!tpu.dma_semaphore, #tpu.memory_space<semaphore_mem>>) src(%dma_wait3A_36 : memref<64xi32, #tpu.memory_space<hbm>>) dst(%arg5 : memref<64xi32, #tpu.memory_space<vmem>>)
      tpu.yield
    }) : () -> ()
    %dma_start3A_19 = arith.constant 0 : i32
    %dma_start3A_20 = arith.constant 0 : i32
    %dma_start3A_21 = tpu.memref_slice %arg2[%dma_start3A_19, %dma_start3A_20] : memref<4096x1024xf32, #tpu.memory_space<hbm>> -> memref<4096x1024xf32, #tpu.memory_space<hbm>>
    tpu.enqueue_indirect_dma source(%dma_start3A_21 : memref<4096x1024xf32, #tpu.memory_space<hbm>>) target(%arg6 : memref<64x1024xf32, #tpu.memory_space<vmem>>) offsets(%arg5 : memref<64xi32, #tpu.memory_space<vmem>>) semaphore(%arg7 : memref<!tpu.dma_semaphore, #tpu.memory_space<semaphore_mem>>)
    %dma_wait3A_22 = arith.constant 0 : i32
    %dma_wait3A_23 = arith.constant 0 : i32
    %dma_wait3A_24 = tpu.memref_slice %arg2[%dma_wait3A_22, %dma_wait3A_23] : memref<4096x1024xf32, #tpu.memory_space<hbm>> -> memref<4096x1024xf32, #tpu.memory_space<hbm>>
    tpu.wait_indirect_dma semaphore(%arg7 : memref<!tpu.dma_semaphore, #tpu.memory_space<semaphore_mem>>) src(%dma_wait3A_24 : memref<4096x1024xf32, #tpu.memory_space<hbm>>) dst(%arg6 : memref<64x1024xf32, #tpu.memory_space<vmem>>)
    "tpu.region"() ({
      %run_scoped3A = tpu.sem_alloc : memref<!tpu.dma_semaphore, #tpu.memory_space<semaphore_mem>>
      %dma_start3A_33 = arith.constant 0 : i32
      %dma_start3A_34 = tpu.memref_slice %arg4[%add3A_18, %dma_start3A_33] : memref<8192x1024xf32, #tpu.memory_space<hbm>> -> memref<64x1024xf32, #tpu.memory_space<hbm>>
      %dma_start3A_35 = arith.constant 0 : i32
      %dma_start3A_36 = tpu.memref_slice %arg4[%add3A_18, %dma_start3A_35] : memref<8192x1024xf32, #tpu.memory_space<hbm>> -> memref<64x1024xf32, #tpu.memory_space<hbm>>
      tpu.enqueue_dma source(%arg6 : memref<64x1024xf32, #tpu.memory_space<vmem>>) target(%dma_start3A_36 : memref<64x1024xf32, #tpu.memory_space<hbm>>) target_semaphore(%run_scoped3A : memref<!tpu.dma_semaphore, #tpu.memory_space<semaphore_mem>>)
      %dma_wait3A_37 = arith.constant 0 : i32
      %dma_wait3A_38 = tpu.memref_slice %arg4[%add3A_18, %dma_wait3A_37] : memref<8192x1024xf32, #tpu.memory_space<hbm>> -> memref<64x1024xf32, #tpu.memory_space<hbm>>
      %dma_wait3A_39 = arith.constant 0 : i32
      %dma_wait3A_40 = tpu.memref_slice %arg4[%add3A_18, %dma_wait3A_39] : memref<8192x1024xf32, #tpu.memory_space<hbm>> -> memref<64x1024xf32, #tpu.memory_space<hbm>>
      tpu.wait_dma2 semaphore(%run_scoped3A : memref<!tpu.dma_semaphore, #tpu.memory_space<semaphore_mem>>) src(%arg6 : memref<64x1024xf32, #tpu.memory_space<vmem>>) dst(%dma_wait3A_40 : memref<64x1024xf32, #tpu.memory_space<hbm>>)
      tpu.yield
    }) : () -> ()
    %add3A_25 = arith.constant 192 : i32
    %add3A_26 = arith.addi %mul3A_2, %add3A_25 : i32
    "tpu.region"() ({
      %run_scoped3A = tpu.sem_alloc : memref<!tpu.dma_semaphore, #tpu.memory_space<semaphore_mem>>
      %dma_start3A_33 = tpu.memref_slice %arg3[%add3A_26] : memref<8192xi32, #tpu.memory_space<hbm>> -> memref<64xi32, #tpu.memory_space<hbm>>
      %dma_start3A_34 = tpu.memref_slice %arg3[%add3A_26] : memref<8192xi32, #tpu.memory_space<hbm>> -> memref<64xi32, #tpu.memory_space<hbm>>
      tpu.enqueue_dma source(%dma_start3A_34 : memref<64xi32, #tpu.memory_space<hbm>>) target(%arg5 : memref<64xi32, #tpu.memory_space<vmem>>) target_semaphore(%run_scoped3A : memref<!tpu.dma_semaphore, #tpu.memory_space<semaphore_mem>>)
      %dma_wait3A_35 = tpu.memref_slice %arg3[%add3A_26] : memref<8192xi32, #tpu.memory_space<hbm>> -> memref<64xi32, #tpu.memory_space<hbm>>
      %dma_wait3A_36 = tpu.memref_slice %arg3[%add3A_26] : memref<8192xi32, #tpu.memory_space<hbm>> -> memref<64xi32, #tpu.memory_space<hbm>>
      tpu.wait_dma2 semaphore(%run_scoped3A : memref<!tpu.dma_semaphore, #tpu.memory_space<semaphore_mem>>) src(%dma_wait3A_36 : memref<64xi32, #tpu.memory_space<hbm>>) dst(%arg5 : memref<64xi32, #tpu.memory_space<vmem>>)
      tpu.yield
    }) : () -> ()
    %dma_start3A_27 = arith.constant 0 : i32
    %dma_start3A_28 = arith.constant 0 : i32
    %dma_start3A_29 = tpu.memref_slice %arg2[%dma_start3A_27, %dma_start3A_28] : memref<4096x1024xf32, #tpu.memory_space<hbm>> -> memref<4096x1024xf32, #tpu.memory_space<hbm>>
    tpu.enqueue_indirect_dma source(%dma_start3A_29 : memref<4096x1024xf32, #tpu.memory_space<hbm>>) target(%arg6 : memref<64x1024xf32, #tpu.memory_space<vmem>>) offsets(%arg5 : memref<64xi32, #tpu.memory_space<vmem>>) semaphore(%arg7 : memref<!tpu.dma_semaphore, #tpu.memory_space<semaphore_mem>>)
    %dma_wait3A_30 = arith.constant 0 : i32
    %dma_wait3A_31 = arith.constant 0 : i32
    %dma_wait3A_32 = tpu.memref_slice %arg2[%dma_wait3A_30, %dma_wait3A_31] : memref<4096x1024xf32, #tpu.memory_space<hbm>> -> memref<4096x1024xf32, #tpu.memory_space<hbm>>
    tpu.wait_indirect_dma semaphore(%arg7 : memref<!tpu.dma_semaphore, #tpu.memory_space<semaphore_mem>>) src(%dma_wait3A_32 : memref<4096x1024xf32, #tpu.memory_space<hbm>>) dst(%arg6 : memref<64x1024xf32, #tpu.memory_space<vmem>>)
    "tpu.region"() ({
      %run_scoped3A = tpu.sem_alloc : memref<!tpu.dma_semaphore, #tpu.memory_space<semaphore_mem>>
      %dma_start3A_33 = arith.constant 0 : i32
      %dma_start3A_34 = tpu.memref_slice %arg4[%add3A_26, %dma_start3A_33] : memref<8192x1024xf32, #tpu.memory_space<hbm>> -> memref<64x1024xf32, #tpu.memory_space<hbm>>
      %dma_start3A_35 = arith.constant 0 : i32
      %dma_start3A_36 = tpu.memref_slice %arg4[%add3A_26, %dma_start3A_35] : memref<8192x1024xf32, #tpu.memory_space<hbm>> -> memref<64x1024xf32, #tpu.memory_space<hbm>>
      tpu.enqueue_dma source(%arg6 : memref<64x1024xf32, #tpu.memory_space<vmem>>) target(%dma_start3A_36 : memref<64x1024xf32, #tpu.memory_space<hbm>>) target_semaphore(%run_scoped3A : memref<!tpu.dma_semaphore, #tpu.memory_space<semaphore_mem>>)
      %dma_wait3A_37 = arith.constant 0 : i32
      %dma_wait3A_38 = tpu.memref_slice %arg4[%add3A_26, %dma_wait3A_37] : memref<8192x1024xf32, #tpu.memory_space<hbm>> -> memref<64x1024xf32, #tpu.memory_space<hbm>>
      %dma_wait3A_39 = arith.constant 0 : i32
      %dma_wait3A_40 = tpu.memref_slice %arg4[%add3A_26, %dma_wait3A_39] : memref<8192x1024xf32, #tpu.memory_space<hbm>> -> memref<64x1024xf32, #tpu.memory_space<hbm>>
      tpu.wait_dma2 semaphore(%run_scoped3A : memref<!tpu.dma_semaphore, #tpu.memory_space<semaphore_mem>>) src(%arg6 : memref<64x1024xf32, #tpu.memory_space<vmem>>) dst(%dma_wait3A_40 : memref<64x1024xf32, #tpu.memory_space<hbm>>)
      tpu.yield
    }) : () -> ()
    return
  }
}

module attributes {stable_mosaic.version = 14 : i64} {
  func.func @_grouped_ffn_body(%arg0: i32, %arg1: i32, %arg2: memref<40xi32, #tpu.memory_space<smem>>, %arg3: memref<40xi32, #tpu.memory_space<smem>>, %arg4: memref<40xi32, #tpu.memory_space<smem>>, %arg5: memref<40xi32, #tpu.memory_space<smem>>, %arg6: memref<8192x1024xbf16, #tpu.memory_space<vmem>>, %arg7: memref<1x512x1024xf32, #tpu.memory_space<vmem>>, %arg8: memref<1x512x1024xf32, #tpu.memory_space<vmem>>, %arg9: memref<1x1024x512xf32, #tpu.memory_space<vmem>>, %arg10: memref<8192x1024xf32, #tpu.memory_space<vmem>>) attributes {dimension_semantics = [#tpu.dimension_semantics<arbitrary>, #tpu.dimension_semantics<arbitrary>], iteration_bounds = array<i64: 8, 40>, scalar_prefetch = 4 : i64, scratch_operands = 0 : i64, tpu.core_type = #tpu.core_type<tc>, window_params = [{pipeline_mode = #tpu.pipeline_mode<synchronous>, transform_indices = @transform_0, window_bounds = array<i64: 8192, 1024>}, {transform_indices = @transform_1, window_bounds = array<i64: 1, 512, 1024>}, {transform_indices = @transform_2, window_bounds = array<i64: 1, 512, 1024>}, {transform_indices = @transform_3, window_bounds = array<i64: 1, 1024, 512>}, {pipeline_mode = #tpu.pipeline_mode<synchronous>, transform_indices = @transform_4, window_bounds = array<i64: 8192, 1024>}]} {
    %get3A = arith.index_cast %arg1 : i32 to index
    %get3A_0 = memref.load %arg2[%get3A] : memref<40xi32, #tpu.memory_space<smem>>
    %get3A_1 = arith.index_cast %arg1 : i32 to index
    %get3A_2 = memref.load %arg3[%get3A_1] : memref<40xi32, #tpu.memory_space<smem>>
    %get3A_3 = arith.index_cast %arg1 : i32 to index
    %get3A_4 = memref.load %arg4[%get3A_3] : memref<40xi32, #tpu.memory_space<smem>>
    %mul3A = arith.constant 256 : i32
    %mul3A_5 = arith.muli %get3A_0, %mul3A : i32
    %get3A_6 = arith.index_cast %mul3A_5 : i32 to index
    %get3A_7 = arith.constant 0 : index
    %get3A_8 = vector.load %arg6[%get3A_6, %get3A_7] : memref<8192x1024xbf16, #tpu.memory_space<vmem>>, vector<256x1024xbf16>
    %convert_element_type3A = arith.extf %get3A_8 : vector<256x1024xbf16> to vector<256x1024xf32>
    %get3A_9 = arith.constant 0 : index
    %get3A_10 = arith.constant 0 : index
    %get3A_11 = arith.constant 0 : index
    %get3A_12 = vector.load %arg7[%get3A_9, %get3A_10, %get3A_11] : memref<1x512x1024xf32, #tpu.memory_space<vmem>>, vector<1x512x1024xf32>
    %get3A_13 = vector.shape_cast %get3A_12 : vector<1x512x1024xf32> to vector<512x1024xf32>
    %get3A_14 = arith.constant 0 : index
    %get3A_15 = arith.constant 0 : index
    %get3A_16 = arith.constant 0 : index
    %get3A_17 = vector.load %arg8[%get3A_14, %get3A_15, %get3A_16] : memref<1x512x1024xf32, #tpu.memory_space<vmem>>, vector<1x512x1024xf32>
    %get3A_18 = vector.shape_cast %get3A_17 : vector<1x512x1024xf32> to vector<512x1024xf32>
    %get3A_19 = arith.constant 0 : index
    %get3A_20 = arith.constant 0 : index
    %get3A_21 = arith.constant 0 : index
    %get3A_22 = vector.load %arg9[%get3A_19, %get3A_20, %get3A_21] : memref<1x1024x512xf32, #tpu.memory_space<vmem>>, vector<1x1024x512xf32>
    %get3A_23 = vector.shape_cast %get3A_22 : vector<1x1024x512xf32> to vector<1024x512xf32>
    %dot_general3A = arith.constant dense<0.000000e+00> : vector<256x512xf32>
    %dot_general3A_24 = tpu.matmul %convert_element_type3A, %get3A_13, %dot_general3A {dimension_numbers = #tpu.dot_dimension_numbers<[1], [1], [0], [0], [0, 0, 1, 0], [], []>, transpose_lhs_hint = false} : vector<256x1024xf32>, vector<512x1024xf32>, vector<256x512xf32> -> vector<256x512xf32>
    %dot_general3A_25 = arith.constant dense<0.000000e+00> : vector<256x512xf32>
    %dot_general3A_26 = tpu.matmul %convert_element_type3A, %get3A_18, %dot_general3A_25 {dimension_numbers = #tpu.dot_dimension_numbers<[1], [1], [0], [0], [0, 0, 1, 0], [], []>, transpose_lhs_hint = false} : vector<256x1024xf32>, vector<512x1024xf32>, vector<256x512xf32> -> vector<256x512xf32>
    %logistic3A = arith.negf %dot_general3A_24 : vector<256x512xf32>
    %logistic3A_27 = math.exp %logistic3A : vector<256x512xf32>
    %logistic3A_28 = arith.constant 1.000000e+00 : f32
    %logistic3A_29 = vector.broadcast %logistic3A_28 : f32 to vector<256x512xf32>
    %logistic3A_30 = arith.addf %logistic3A_29, %logistic3A_27 : vector<256x512xf32>
    %logistic3A_31 = arith.divf %logistic3A_29, %logistic3A_30 : vector<256x512xf32>
    %mul3A_32 = arith.mulf %dot_general3A_24, %logistic3A_31 : vector<256x512xf32>
    %mul3A_33 = arith.mulf %mul3A_32, %dot_general3A_26 : vector<256x512xf32>
    %dot_general3A_34 = arith.constant dense<0.000000e+00> : vector<256x1024xf32>
    %dot_general3A_35 = tpu.matmul %mul3A_33, %get3A_23, %dot_general3A_34 {dimension_numbers = #tpu.dot_dimension_numbers<[1], [1], [0], [0], [0, 0, 1, 0], [], []>, transpose_lhs_hint = false} : vector<256x512xf32>, vector<1024x512xf32>, vector<256x1024xf32> -> vector<256x1024xf32>
    %iota3A = tpu.iota {dimensions = array<i32: 0>} : vector<256x1xi32>
    %ge3A = vector.broadcast %get3A_2 : i32 to vector<256x1xi32>
    %ge3A_36 = arith.cmpi sge, %iota3A, %ge3A : vector<256x1xi32>
    %lt3A = vector.broadcast %get3A_4 : i32 to vector<256x1xi32>
    %lt3A_37 = arith.cmpi slt, %iota3A, %lt3A : vector<256x1xi32>
    %and3A = arith.andi %ge3A_36, %lt3A_37 : vector<256x1xi1>
    %jit3A = arith.constant 0.000000e+00 : f32
    %broadcast_in_dim3A = vector.shape_cast %and3A : vector<256x1xi1> to vector<256x1xi1>
    %broadcast_in_dim3A_38 = vector.broadcast %broadcast_in_dim3A : vector<256x1xi1> to vector<256x1024xi1>
    %broadcast_in_dim3A_39 = vector.broadcast %jit3A : f32 to vector<256x1024xf32>
    %select_n3A = arith.select %broadcast_in_dim3A_38, %dot_general3A_35, %broadcast_in_dim3A_39 : vector<256x1024xi1>, vector<256x1024xf32>
    %eq3A = arith.constant 0 : i32
    %eq3A_40 = arith.cmpi eq, %arg0, %eq3A : i32
    %eq3A_41 = arith.constant 0 : i32
    %eq3A_42 = arith.cmpi eq, %get3A_2, %eq3A_41 : i32
    %and3A_43 = arith.andi %eq3A_40, %eq3A_42 : i1
    %convert_element_type3A_44 = arith.extui %and3A_43 : i1 to i32
    %cond3A = arith.constant 0 : i32
    %cond3A_45 = arith.cmpi ne, %convert_element_type3A_44, %cond3A : i32
    scf.if %cond3A_45 {
      %mul3A_52 = arith.constant 256 : i32
      %mul3A_53 = arith.muli %get3A_0, %mul3A_52 : i32
      %swap3A = arith.index_cast %mul3A_53 : i32 to index
      %swap3A_54 = arith.constant 0 : index
      %swap3A_55 = vector.load %arg10[%swap3A, %swap3A_54] : memref<8192x1024xf32, #tpu.memory_space<vmem>>, vector<256x1024xf32>
      tpu.vector_store %arg10[%swap3A, %swap3A_54], %select_n3A {strides = array<i32>} : memref<8192x1024xf32, #tpu.memory_space<vmem>>, vector<256x1024xf32>,
    } else {
    }
    %gt3A = arith.constant 0 : i32
    %gt3A_46 = arith.cmpi sgt, %arg0, %gt3A : i32
    %gt3A_47 = arith.constant 0 : i32
    %gt3A_48 = arith.cmpi sgt, %get3A_2, %gt3A_47 : i32
    %or3A = arith.ori %gt3A_46, %gt3A_48 : i1
    %convert_element_type3A_49 = arith.extui %or3A : i1 to i32
    %cond3A_50 = arith.constant 0 : i32
    %cond3A_51 = arith.cmpi ne, %convert_element_type3A_49, %cond3A_50 : i32
    scf.if %cond3A_51 {
      %mul3A_52 = arith.constant 256 : i32
      %mul3A_53 = arith.muli %get3A_0, %mul3A_52 : i32
      %get3A_54 = arith.index_cast %mul3A_53 : i32 to index
      %get3A_55 = arith.constant 0 : index
      %get3A_56 = vector.load %arg10[%get3A_54, %get3A_55] : memref<8192x1024xf32, #tpu.memory_space<vmem>>, vector<256x1024xf32>
      %add3A = arith.addf %get3A_56, %select_n3A : vector<256x1024xf32>
      %swap3A = arith.index_cast %mul3A_53 : i32 to index
      %swap3A_57 = arith.constant 0 : index
      %swap3A_58 = vector.load %arg10[%swap3A, %swap3A_57] : memref<8192x1024xf32, #tpu.memory_space<vmem>>, vector<256x1024xf32>
      tpu.vector_store %arg10[%swap3A, %swap3A_57], %add3A {strides = array<i32>} : memref<8192x1024xf32, #tpu.memory_space<vmem>>, vector<256x1024xf32>,
    } else {
    }
    return
  }
  func.func @transform_0(%arg0: i32, %arg1: i32, %arg2: memref<40xi32, #tpu.memory_space<smem>>, %arg3: memref<40xi32, #tpu.memory_space<smem>>, %arg4: memref<40xi32, #tpu.memory_space<smem>>, %arg5: memref<40xi32, #tpu.memory_space<smem>>) -> (i32, i32) {
    %c0_i32 = arith.constant 0 : i32
    %c0_i32_0 = arith.constant 0 : i32
    %c0_i32_1 = arith.constant 0 : i32
    return %c0_i32, %c0_i32_0 : i32, i32
  }
  func.func @transform_1(%arg0: i32, %arg1: i32, %arg2: memref<40xi32, #tpu.memory_space<smem>>, %arg3: memref<40xi32, #tpu.memory_space<smem>>, %arg4: memref<40xi32, #tpu.memory_space<smem>>, %arg5: memref<40xi32, #tpu.memory_space<smem>>) -> (i32, i32, i32) {
    %get3A = arith.index_cast %arg1 : i32 to index
    %get3A_0 = memref.load %arg5[%get3A] : memref<40xi32, #tpu.memory_space<smem>>
    %c0_i32 = arith.constant 0 : i32
    %c0_i32_1 = arith.constant 0 : i32
    return %get3A_0, %arg0, %c0_i32 : i32, i32, i32
  }
  func.func @transform_2(%arg0: i32, %arg1: i32, %arg2: memref<40xi32, #tpu.memory_space<smem>>, %arg3: memref<40xi32, #tpu.memory_space<smem>>, %arg4: memref<40xi32, #tpu.memory_space<smem>>, %arg5: memref<40xi32, #tpu.memory_space<smem>>) -> (i32, i32, i32) {
    %get3A = arith.index_cast %arg1 : i32 to index
    %get3A_0 = memref.load %arg5[%get3A] : memref<40xi32, #tpu.memory_space<smem>>
    %c0_i32 = arith.constant 0 : i32
    %c0_i32_1 = arith.constant 0 : i32
    return %get3A_0, %arg0, %c0_i32 : i32, i32, i32
  }
  func.func @transform_3(%arg0: i32, %arg1: i32, %arg2: memref<40xi32, #tpu.memory_space<smem>>, %arg3: memref<40xi32, #tpu.memory_space<smem>>, %arg4: memref<40xi32, #tpu.memory_space<smem>>, %arg5: memref<40xi32, #tpu.memory_space<smem>>) -> (i32, i32, i32) {
    %get3A = arith.index_cast %arg1 : i32 to index
    %get3A_0 = memref.load %arg5[%get3A] : memref<40xi32, #tpu.memory_space<smem>>
    %c0_i32 = arith.constant 0 : i32
    %c0_i32_1 = arith.constant 0 : i32
    return %get3A_0, %c0_i32, %arg0 : i32, i32, i32
  }
  func.func @transform_4(%arg0: i32, %arg1: i32, %arg2: memref<40xi32, #tpu.memory_space<smem>>, %arg3: memref<40xi32, #tpu.memory_space<smem>>, %arg4: memref<40xi32, #tpu.memory_space<smem>>, %arg5: memref<40xi32, #tpu.memory_space<smem>>) -> (i32, i32) {
    %c0_i32 = arith.constant 0 : i32
    %c0_i32_0 = arith.constant 0 : i32
    %c0_i32_1 = arith.constant 0 : i32
    return %c0_i32, %c0_i32_0 : i32, i32
  }
}

</mosaic_0001>

<sc_bundles>
// kernel: gather_offload_async_start.1
scs
__scs_entry_jumppad:
0x0: {  	(pc) =	sbr.rel $0x88, $3  }
0x1: {  	(tag) =	ssettag $0x0;
	lr =	simm.s32 $0x1  }
0x2: {  	[smem:$0x3F9B] =	sst lr;
	_ =	strace $0xD0000000  }
0x3: {  	_ = 	snop  }
0x4: {  	_ = 	snop  }
0x5: {  	_ = 	snop  }
0x6: {  	_ = 	snop  }
0x7: {  	_ = 	snop  }
__scs_overlays_trampoline_lowered:
0x8: {  	[smem:$0x3FAA] =	sst s0  }
0x9: {  	[smem:$0x3FAB] =	sst s1  }
0xa: {  	[smem:$0x3FAC] =	sst s2  }
0xb: {  	[smem:$0x3FAD] =	sst s3  }
0xc: {  	[smem:$0x3FAE] =	sst s4  }
0xd: {  	[smem:$0x3FAF] =	sst s5  }
0xe: {  	[smem:$0x3FB0] =	sst s6  }
0xf: {  	[smem:$0x3FB1] =	sst s7  }
0x10: {  	[smem:$0x3FB2] =	sst s8  }
0x11: {  	[smem:$0x3FB3] =	sst s9;
	s0 =	simm.s32 @!p0 $0x0  }
0x12: {  	s1 =	sld [smem:$0x3F99];
	s0 =	simm.s32 @p0 $0x1  }
0x13: {  	[smem:$0x3FB4] =	sst s0;
	s0 =	simm.s32 @!p1 $0x0  }
0x14: {  	s2 =	sld [smem:$0x3F98];
	s0 =	simm.s32 @p1 $0x1  }
0x15: {  	[smem:$0x3FB5] =	sst s0;
	s0 =	simm.s32 @!p2 $0x0  }
0x16: {  	s3 =	sld [smem:$0x3FDB];
	s0 =	simm.s32 @p2 $0x1  }
0x17: {  	s4 =	simm.s32 $0x1BF5;
	[smem:$0x3FB7] =	sst s0  }
0x18: {  	s0 =	sld [smem:$0x3F9A];
	_ =	swait.ge [sflag:s4], $0x0  }
0x19: {  	s7 =	sld [smem:$0x3F9B]  }
0x1a: {  	s8 =	sadd.s32 $0xFFFFE003, lr  }
0x1b: {  	s9 =	sadd.s32 $0xFFFFFEF7, lr;
	s5 =	simm.s32 $0xFFFFFFFF;
	p2 =	slt.u32 s8, $0xFFFFF086  }
0x1c: {  	p1 =	slt.u32 s9, $0xF7A;
	s5 =	simm.s32 @!p2 $0x0  }
0x1d: {  	s5 =	simm.s32 @p1 $0x1;
	p0 =	seq.s32 s7, s2  }
0x1e: {  	s7 =	smul.u32 @!p0 $0xF7A, s2;
	p2 =	seq.s32 @!p0 s5, $0x0  }
0x1f: {  	s9 =	smul.u32 $0xF7A, s1;
	s8 =	simm.s32 @!p0 $0x1BF5;
	p2 =	por !p2, p0  }
0x20: {  	[sflag:s8] =	ssyncset.s32 @!p0 $0xFFFFF086;
	s6 =	sadd.s32 @!p0 s3, s7;
	s7 =	simm.s32 @!p0 $0x108  }
0x21: {  	s3 =	sadd.s32 s3, s9;
	s6 =	sadd.s32 @!p0 $0x88, s6;
	s7 =	simm.s32 @p2 $0x1082  }
0x22: {  	[simem:s7], [sflag:s8] =	dma.local @!p0 [hbm:s6], $0xF7A  }
0x23: {  	s9 =	sor.u32 $0xD0000000, s2;
	s6 =	simm.s32 $0x108;
	_ =	swait.ge @!p0 [sflag:s8], $0x0  }
0x24: {  	s3 =	sadd.s32 $0x88, s3;
	s6 =	simm.s32 @!p1 $0x1082;
	[sflag:s4] =	ssyncset.s32 $0xFFFFF086  }
0x25: {  	[simem:s6], [sflag:s4] =	dma.local [hbm:s3], $0xF7A  }
0x26: {  	[smem:$0x3F9B] =	sst s1;
	(tag) =	ssettag s2;
	_ =	strace s9  }
0x27: {  	s1 =	sld [smem:$0x3FAB]  }
0x28: {  	s2 =	sld [smem:$0x3FAC]  }
0x29: {  	s4 =	sld [smem:$0x3FAE]  }
0x2a: {  	p0 =	seq.s32 s5, $0x0;
	s5 =	sld [smem:$0x3FAF]  }
0x2b: {  	s6 =	sld [smem:$0x3FB0]  }
0x2c: {  	s7 =	sld [smem:$0x3FB1]  }
0x2d: {  	s3 =	simm.s32 $0x108;
	s8 =	sld [smem:$0x3FB2]  }
0x2e: {  	s3 =	simm.s32 @!p0 $0x1082;
	s9 =	sld [smem:$0x3FB3]  }
0x2f: {  	lr =	sadd.s32 s0, s3;
	s0 =	sld [smem:$0x3FAA]  }
0x30: {  	s3 =	sld [smem:$0x3FAD]  }
0x31: {  	[smem:$0x3FB6] =	sst s10  }
0x32: {  	s10 =	sld [smem:$0x3FB4];
	_ =	sdelay $0x3  }
0x33: {  	p0 =	seq.s32 s10, $0x1;
	s10 =	sld [smem:$0x3FB6];
	_ =	sdelay $0x3  }
0x34: {  	[smem:$0x3FB6] =	sst s10  }
0x35: {  	s10 =	sld [smem:$0x3FB5];
	_ =	sdelay $0x3  }
0x36: {  	p1 =	seq.s32 s10, $0x1;
	s10 =	sld [smem:$0x3FB6];
	_ =	sdelay $0x3  }
0x37: {  	[smem:$0x3FB6] =	sst s10  }
0x38: {  	s10 =	sld [smem:$0x3FB7]  }
0x39: {  	_ = 	snop;
	(pc) =	sbr.ind lr, $3  }
0x3a: {  	_ = 	snop  }
0x3b: {  	_ = 	snop  }
0x3c: {  	p2 =	seq.s32 s10, $0x1;
	s10 =	sld [smem:$0x3FB6]  }
0x3d: {  	_ =	shalt  }
0x3e: {  	_ =	shalt  }
0x3f: {  	_ =	shalt  }
0x40: {  	_ =	shalt  }
0x41: {  	_ =	shalt  }
0x42: {  	_ =	shalt  }
0x43: {  	_ =	shalt  }
0x44: {  	_ =	shalt  }
0x45: {  	_ =	shalt  }
0x46: {  	_ =	shalt  }
0x47: {  	_ =	shalt  }
0x48: {  	_ =	shalt  }
0x49: {  	_ =	shalt  }
0x4a: {  	_ =	shalt  }
0x4b: {  	_ =	shalt  }
0x4c: {  	_ =	shalt  }
0x4d: {  	_ =	shalt  }
0x4e: {  	_ =	shalt  }
0x4f: {  	_ =	shalt  }
0x50: {  	_ =	shalt  }
0x51: {  	_ =	shalt  }
0x52: {  	_ =	shalt  }
0x53: {  	_ =	shalt  }
0x54: {  	_ =	shalt  }
0x55: {  	_ =	shalt  }
0x56: {  	_ =	shalt  }
0x57: {  	_ =	shalt  }
0x58: {  	_ =	shalt  }
0x59: {  	_ =	shalt  }
0x5a: {  	_ =	shalt  }
0x5b: {  	_ =	shalt  }
0x5c: {  	_ =	shalt  }
0x5d: {  	_ =	shalt  }
0x5e: {  	_ =	shalt  }
0x5f: {  	_ =	shalt  }
0x60: {  	_ =	shalt  }
0x61: {  	_ =	shalt  }
0x62: {  	_ =	shalt  }
0x63: {  	_ =	shalt  }
0x64: {  	_ =	shalt  }
0x65: {  	_ =	shalt  }
0x66: {  	_ =	shalt  }
0x67: {  	_ =	shalt  }
0x68: {  	_ =	shalt  }
0x69: {  	_ =	shalt  }
0x6a: {  	_ =	shalt  }
0x6b: {  	_ =	shalt  }
0x6c: {  	_ =	shalt  }
0x6d: {  	_ =	shalt  }
0x6e: {  	_ =	shalt  }
0x6f: {  	_ =	shalt  }
0x70: {  	_ =	shalt  }
0x71: {  	_ =	shalt  }
0x72: {  	_ =	shalt  }
0x73: {  	_ =	shalt  }
0x74: {  	_ =	shalt  }
0x75: {  	_ =	shalt  }
0x76: {  	_ =	shalt  }
0x77: {  	_ =	shalt  }
0x78: {  	_ =	shalt  }
0x79: {  	_ =	shalt  }
0x7a: {  	_ =	shalt  }
0x7b: {  	_ =	shalt  }
0x7c: {  	_ =	shalt  }
0x7d: {  	_ =	shalt  }
0x7e: {  	_ =	shalt  }
0x7f: {  	_ =	shalt  }
0x80: {  	_ =	shalt  }
0x81: {  	_ =	shalt  }
0x82: {  	_ =	shalt  }
0x83: {  	_ =	shalt  }
0x84: {  	_ =	shalt  }
0x85: {  	_ =	shalt  }
0x86: {  	_ =	shalt  }
0x87: {  	_ =	shalt  }
.Lfunc_end0:
.L_simem_size_0:
called_computation.2_lowered:
.L_overlay_start_0:
0x88: {  	s2 =	sld [smem:$0x3FD9]  }
0x89: {  	s3 =	sld [smem:$0x3FFE];
	_ =	sdelay $0x1  }
0x8a: {  	s1 =	srdreg.scid  }
0x8b: {  	s0 =	sand.u32 $0x1, s1  }
0x8c: {  	s16 =	sshll.u32 s0, $0xA;
	s2 =	sadd.s32 s3, s2  }
0x8d: {  	s2 =	sadd.s32 s2, s16  }
0x8e: {  	[smem:$0x3FC2] =	sst s2  }
0x8f: {  	_ = 	snop  }
0x90: {  	(tm) =	ssettm $0x1  }
0x91: {  	s17 =	sld [smem:$0x3FFB];
	_ =	sdelay $0x3  }
0x92: {  	_ =	strace s17  }
0x93: {  	s2 =	sld [smem:$0x3FFC];
	_ =	sdelay $0x3  }
0x94: {  	_ =	strace s2  }
0x95: {  	s2 =	sld [smem:$0x3FFD];
	_ =	sdelay $0x3  }
0x96: {  	_ =	strace s2  }
0x97: {  	_ =	strace $0x8FFFFFFF  }
0x98: {  	s18 =	sld [smem:$0x3FDB];
	_ =	sdelay $0x1  }
0x99: {  	s19 =	simm.s32 $_scs_section_size  }
0x9a: {  	s4 =	simm.s32 $_size__tile_overlayer_lowered;
	s5 =	simm.s32 $_tile_overlayer_lowered  }
0x9b: {  	s22 =	simm.s32 $0x1BFF;
	s21 =	sshll.u32 s5, $0x1;
	s2 =	sadd.s32 s19, s18  }
0x9c: {  	s6 =	simm.s32 $0x0;
	s20 =	sshll.u32 s4, $0x1;
	s4 =	sadd.s32 s21, s2  }
0x9d: {  	[timem:s6], [sflag:s22] =	dma.local [hbm:s4], s20  }
0x9e: {  	_ =	swait.ge [sflag:s22], s20  }
0x9f: {  	s3 =	ssub.s32 $0x0, s20;
	[sflag:s22] =	ssyncset.done $0x0  }
0xa0: {  	[sflag:s22] =	ssyncadd.s32 s3;
	_ =	sdelay $0x1  }
0xa1: {  	s23 =	simm.s32 $0x1B8B  }
0xa2: {  	_ =	swait.ge [sflag:s23], $0x1  }
0xa3: {  	[sflag:s23] =	ssyncset.done $0x0  }
0xa4: {  	s25 =	simm.s32 $0x1B8E;
	s24 =	sld [smem:$0x3FFE];
	[sflag:s23] =	ssyncadd.s32 $0xFFFFFFFF  }
0xa5: {  	s26 =	simm.s32 $execute0_lowered;
	[smem:$0x3FD2] =	sst s25  }
0xa6: {  	s4 =	sshll.u32 s26, $0x1;
	_ =	strace $0x8000004F;
	[dreg:$0x1] =	wrdreg $0xFFFFFFFF  }
0xa7: {  	s28 =	simm.s32 $_size_execute0_lowered;
	s2 =	sadd.s32 s2, s4;
	[dreg:$0x0] =	wrdreg $0x0  }
0xa8: {  	s4 =	sshll.u32 s28, $0x1;
	[dreg:$0x2] =	wrdreg s2  }
0xa9: {  	[dreg:$0x3] =	wrdreg s4  }
0xaa: {  	[dreg:$0x4] =	wrdreg $0xC0  }
0xab: {  	_ =	task [dreg:s6], $0x5FFFF  }
0xac: {  	[dreg:$0x1] =	wrdreg $0xFFFFFFFF  }
0xad: {  	[dreg:$0x0] =	wrdreg $0x60  }
0xae: {  	[dreg:$0x2] =	wrdreg s24  }
0xaf: {  	[dreg:$0x3] =	wrdreg $0x9  }
0xb0: {  	_ =	task.clear_ibuf [dreg:s6], $0x4FFFF;
	_ =	strace $0x9000004F  }
0xb1: {  	s29 =	simm.s32 $0x9;
	_ =	strace $0x80000051  }
0xb2: {  	_ =	swait.ge [sflag:s29], $0x1  }
0xb3: {  	[sflag:s29] =	ssyncadd.s32 $0xFFFFFFFF  }
0xb4: {  	_ =	strace $0x90000051  }
0xb5: {  	_ =	sfence  }
0xb6: {  	s30 =	sld [smem:$0x0];
	_ =	sdelay $0x2  }
0xb7: {  	s31 =	sshll.u32 s1, $0xD;
	s1 =	sshrl.u32 s1, $0x2  }
0xb8: {  	s3 =	sand.u32 $0x4000, s31;
	s1 =	sadd.s32 s1, s30  }
0xb9: {  	s0 =	sor.u32 s3, s0;
	s1 =	sshll.u32 s1, $0x11  }
0xba: {  	s0 =	sor.u32 s1, s0  }
0xbb: {  	s0 =	sadd.s32 $0x8F2B, s0  }
0xbc: {  	[sflag:s0] =	ssyncadd.remote.s32 $0x1  }
0xbd: {  	_ =	sfence.sel $0xFFFF  }
0xbe: {  	[dreg:$0x0] =	wrdreg $0xFFFFFFFF;
	(pc) =	sbr.abs _section_cstart, $3  }
0xbf: {  	[dreg:$0x1] =	wrdreg $0xFFFFFFFF  }
0xc0: {  	_ =	task.clear_ibuf [dreg:s6], $0x2FFFF;
	_ =	strace $0x9FFFFFFF  }
0xc1: {  	(tm) =	ssettm $0x7FFFFFFF  }
tec
execute0_lowered:
.L_overlay_start_1:
0x0: {  	(tag) =	ssettag $0x1  }
0x1: {  	s7 =	rddreg [dreg:$0x0]  }
0x2: {  	s0 =	rddreg [dreg:$0x1];
	_ =	strace $0x80000050  }
0x3: {  	s1 =	srdreg.scid;
	s4 =	simm.s32 $0x1;
	s9 =	simm.s32 $0x3  }
0x4: {  	s11 =	simm.s32 $0x0;
	p0 =	por $0x0, $0x0;
	s5 =	sshll.u32 s1, $0x4  }
.Ltmp0:
0x5: {  	s1 =	stileid.u32;
	s5 =	sand.u32 $0x10, s5;
	(pc) =	sbr.rel .LBB2_1-.Ltmp0, $4  }
0x6: {  	s2 =	sadd.s32 $0x2000, s7;
	s3 =	sadd.s32 $0x1200, s7;
	s6 =	sor.u32 s1, s5  }
0x7: {  	[sflag:s4] =	ssyncpa.u1 $0x0;
	s5 =	simm.s32 $0x2;
	s6 =	sshll.u32 s6, $0x8  }
0x8: {  	s7 =	sadd.s32 $0x102000, s7;
	[sflag:s5] =	ssyncpa.u1 $0x0;
	s8 =	sadd.s32 $0x100, s6  }
0x9: {  	vm0 =	vmmov $0xff;
	vm1 =	vcmask $0x3F20;
	[sflag:s9] =	ssyncpa.u1 $0x0;
	s10 =	smov.u32 s6;
	s9 =	simm.s32 $0x0  }
.LBB2_9:
0xa: {  	p1 =	slt.u32 s9, $0x2;
	s11 =	sadd.s32 $0x20, s10  }
0xb: {  	s13 =	smov.u32 s6;
	s9 =	sadd.s32 $0x1, s9;
	p2 =	slt.s32 s11, s8  }
0xc: {  	s13 =	smov.u32 @p2 s11;
	p2 =	sne.s32 s9, $0xA  }
.Ltmp1:
0xd: {  	_ = 	snop;
	(pc) =	sbr.rel @!p2 .LBB2_10-.Ltmp1, $4  }
0xe: {  	s12 =	simm.s32 @!p1 $0x3  }
0xf: {  	_ =	swait.ge @!p1 [sflag:s12], $0x8000  }
0x10: {  	p0 =	por !p0, !p0;
	[sflag:s12] =	ssyncset.done @!p1 $0x0  }
0x11: {  	s11 =	smov.u32 s10;
	s10 =	smov.u32 s13;
	[sflag:s12] =	ssyncadd.s32 @!p1 $0xFFFF8000  }
.LBB2_1:
0x12: {  	p1 =	sgt.u32 s9, $0x7  }
0x13: {  	s12 =	sxor.u32 @!p1 $0xFFFFFFFF, s9  }
0x14: {  	s13 =	sshrl.u32 @!p1 s10, $0x3;
	s12 =	sshll.u32 @!p1 s12, $0x5  }
0x15: {  	s14 =	sand.u32 @!p1 $0x7, s10;
	s13 =	sadd.s32 @!p1 s3, s13;
	s12 =	sand.u32 @!p1 $0x20, s12  }
0x16: {  	[tilespmem:s12], [sflag:$0x2] =	stream.linear.gather @!p1 [hbm4b:s13+s14], $0x20, $0x38;
	[tilespmem:$0x10040] =	vst v63  }
0x17: {  	p1 =	seq.s32 s9, $0x0  }
0x18: {  	p2 =	seq.s32 @!p1 s9, $0x9  }
0x19: {  	p1 =	por p1, p2  }
.Ltmp2:
0x1a: {  	_ = 	snop;
	(pc) =	sbr.rel @p1 .LBB2_9-.Ltmp2, $1  }
0x1b: {  	_ =	sdelay $0x3  }
0x1c: {  	s12 =	simm.s32 $0x1  }
0x1d: {  	_ =	swait.ge [sflag:s5], $0x20;
	s13 =	sand.u32 $0x1, s9;
	s12 =	simm.s32 @!p0 $0x0  }
0x1e: {  	s15 =	simm.s32 $0x0;
	p2 =	por $0x1, $0x1;
	s12 =	sshll.u32 s12, $0x11  }
0x1f: {  	[sflag:s5] =	ssyncset.done $0x0;
	s13 =	sshll.u32 s13, $0x5;
	s14 =	sshrl.u32 s12, $0x2  }
0x20: {  	[sflag:s5] =	ssyncadd.s32 $0xFFFFFFE0;
	s12 =	sor.u32 $0x40, s14;
	s14 =	sadd.s32 $0x40, s14  }
.LBB2_3:
0x21: {  	s16 =	sshll.u32 s15, $0x4  }
0x22: {  	s16 =	sand.u32 $0x3FFFFFF0, s16  }
0x23: {  	s16 =	sadd.s32 s16, s13  }
0x24: {  	v0 =	vld.msk [tilespmem:s16+$0x0 ss:$0x1], $0xffff;
	_ =	sdelay $0x4  }
0x25: {  	vm2 =	vgt.s32 v0, $0x0  }
0x26: {  	v0 =	vnsel vm2, $0x0, v0  }
0x27: {  	v0 =	vmin.u32 v0, $0x1FFF  }
0x28: {  	v1 =	vshll.u32 v0, $0x7;
	v0 =	vshll.u32 v0, $0x4  }
0x29: {  	v1 =	vand.u32 $0xFFC00, v1;
	v0 =	vand.u32 $0x70, v0  }
0x2a: {  	v0 =	vor.u32 v0, v1  }
0x2b: {  	s31 =	sshll.u32 s15, $0x10  }
0x2c: {  	s15 =	sshra.s32 s31, $0x2  }
0x2d: {  	s15 =	sadd.s32 s15, s14  }
0x2e: {  	s17 =	sadd.s32 $0x0, s15  }
0x2f: {  	[tilespmem:s17], [sflag:$0x1] =	stream.indirect_vreg.gather [hbm:s2], $0x80, v0, vm0, $0x38;
	[tilespmem:$0x10040] =	vst v63  }
0x30: {  	p1 =	por p2, p2;
	s16 =	simm.s32 $0x1000;
	v1 =	vadd.s32 $0x80, v0;
	s17 =	sadd.s32 $0x2000, s17  }
.LBB2_4:
0x31: {  	[tilespmem:s17], [sflag:$0x1] =	stream.indirect_vreg.gather [hbm:s2], $0x80, v0, vm1, $0x38;
	[tilespmem:$0x10040] =	vst v63  }
0x32: {  	v0 =	vmov v1;
	s17 =	smov.u32 s16;
	p2 =	sne.s32 s16, $0x7000  }
.Ltmp3:
0x33: {  	s16 =	sadd.s32 $0x1000, s16;
	(pc) =	sbr.rel @p2 .LBB2_4-.Ltmp3, $4  }
0x34: {  	s17 =	sshra.s32 s17, $0x2  }
0x35: {  	s17 =	sadd.s32 s17, s15  }
0x36: {  	[tilespmem:s17], [sflag:$0x1] =	stream.indirect_vreg.gather [hbm:s2], $0x80, v1, vm0, $0x38;
	[tilespmem:$0x10040] =	vst v63  }
0x37: {  	s17 =	sadd.s32 $0x2000, s17;
	v1 =	vadd.s32 $0x80, v1  }
0x38: {  	_ = 	snop  }
.Ltmp4:
0x39: {  	_ = 	snop;
	(pc) =	sbr.rel @p1 .LBB2_3-.Ltmp4, $3  }
0x3a: {  	_ =	sdelay $0x1  }
0x3b: {  	[tilespmem:s17], [sflag:$0x1] =	stream.indirect_vreg.gather [hbm:s2], $0x80, v0, vm1, $0x38;
	[tilespmem:$0x10040] =	vst v63  }
0x3c: {  	s15 =	simm.s32 $0x1;
	p2 =	por $0x0, $0x0  }
0x3d: {  	s13 =	sshll.u32 s11, $0x7  }
0x3e: {  	s31 =	sshll.u32 s11, $0x4;
	s13 =	sand.u32 $0xFFFFFC00, s13  }
0x3f: {  	_ =	swait.ge [sflag:s4], $0x8000;
	s11 =	sand.u32 $0x70, s31;
	s13 =	sadd.s32 s13, s7  }
0x40: {  	s14 =	sadd.s32 $0x2000, s12;
	[sflag:s4] =	ssyncset.done $0x0;
	s11 =	sadd.s32 s11, s13  }
0x41: {  	[sflag:s4] =	ssyncadd.s32 $0xFFFF8000;
	s13 =	simm.s32 $0x400;
	s15 =	sadd.s32 $0x0, s11  }
.LBB2_7:
0x42: {  	[hbm:s15] =	stream.linear.scatter [tilespmem:s12], [sflag:$0x3], $0x2000, $0x38;
	[tilespmem:$0x10040] =	vst v63  }
0x43: {  	s15 =	smov.u32 s13;
	s12 =	smov.u32 s14;
	p1 =	sne.s32 s13, $0xC00  }
.Ltmp5:
0x44: {  	s13 =	sadd.s32 $0x400, s13;
	(pc) =	sbr.rel @p1 .LBB2_7-.Ltmp5, $2  }
0x45: {  	_ =	sdelay $0x2  }
0x46: {  	s14 =	sadd.s32 $0x2000, s14;
	s15 =	sadd.s32 s15, s11  }
.Ltmp6:
0x47: {  	(pc) =	sbr.rel .LBB2_9-.Ltmp6, $2  }
0x48: {  	_ =	sdelay $0x2  }
0x49: {  	[hbm:s15] =	stream.linear.scatter [tilespmem:s12], [sflag:$0x3], $0x2000, $0x38;
	[tilespmem:$0x10040] =	vst v63  }
.LBB2_10:
0x4a: {  	_ =	sfence.sel $0x180000  }
0x4b: {  	s2 =	simm.s32 $0x2;
	[bflag:$0x0] =	sbarrier.arrive $0xFFFF  }
0x4c: {  	s30 =	simm.s32 $0x3;
	[sflag:s2] =	ssyncpa.u1 $0x1  }
0x4d: {  	s31 =	simm.s32 $0x1;
	[sflag:s30] =	ssyncpa.u1 $0x1  }
0x4e: {  	[sflag:s31] =	ssyncpa.u1 $0x1  }
0x4f: {  	p0 =	sne.s32 s1, $0x0;
	_ =	strace $0x90000050  }
0x50: {  	s0 =	sadd.s32 @!p0 $0x100000, s0;
	[bflag:$0x2] =	sbarrier.arrive $0xFFFF  }
0x51: {  	[sflag:s0] =	ssyncadd.tile.s32 @!p0 $0x1;
	_ =	shalt  }
.Lfunc_end2:
_tile_overlayer_lowered:
.L_overlay_start_2:
0x52: {  	(tag) =	ssettag $0x2  }
0x53: {  	s0 =	rddreg [dreg:$0x0];
	s2 =	stileid.u32  }
0x54: {  	s1 =	rddreg [dreg:$0x1];
	p0 =	sne.s32 s2, $0x0  }
0x55: {  	s3 =	rddreg [dreg:$0x2];
	[bflag:$0x3] =	sbarrier.arrive $0xFFFF;
	s2 =	simm.s32 @!p0 $0x1C01  }
0x56: {  	[timem:s3], [sflag:s2] =	dma.local @!p0 [hbm:s0], s1  }
0x57: {  	s0 =	simm.s32 @!p0 $0x1  }
0x58: {  	_ =	swait.ge @!p0 [sflag:s0], s1  }
0x59: {  	s1 =	ssub.s32 @!p0 $0x0, s1;
	[sflag:s0] =	ssyncset.done @!p0 $0x0  }
0x5a: {  	[sflag:s0] =	ssyncadd.s32 @!p0 s1  }
0x5b: {  	[bflag:$0x3] =	sbarrier.arrive $0xFFFF  }
0x5c: {  	_ =	shalt  }

// kernel: gather_offload_async_start
scs
__scs_entry_jumppad:
0x0: {  	(pc) =	sbr.rel $0x88, $3  }
0x1: {  	(tag) =	ssettag $0x0;
	lr =	simm.s32 $0x1  }
0x2: {  	[smem:$0x3F9B] =	sst lr;
	_ =	strace $0xD0000000  }
0x3: {  	_ = 	snop  }
0x4: {  	_ = 	snop  }
0x5: {  	_ = 	snop  }
0x6: {  	_ = 	snop  }
0x7: {  	_ = 	snop  }
__scs_overlays_trampoline_lowered:
0x8: {  	[smem:$0x3FAA] =	sst s0  }
0x9: {  	[smem:$0x3FAB] =	sst s1  }
0xa: {  	[smem:$0x3FAC] =	sst s2  }
0xb: {  	[smem:$0x3FAD] =	sst s3  }
0xc: {  	[smem:$0x3FAE] =	sst s4  }
0xd: {  	[smem:$0x3FAF] =	sst s5  }
0xe: {  	[smem:$0x3FB0] =	sst s6  }
0xf: {  	[smem:$0x3FB1] =	sst s7  }
0x10: {  	[smem:$0x3FB2] =	sst s8  }
0x11: {  	[smem:$0x3FB3] =	sst s9;
	s0 =	simm.s32 @!p0 $0x0  }
0x12: {  	s1 =	sld [smem:$0x3F99];
	s0 =	simm.s32 @p0 $0x1  }
0x13: {  	[smem:$0x3FB4] =	sst s0;
	s0 =	simm.s32 @!p1 $0x0  }
0x14: {  	s2 =	sld [smem:$0x3F98];
	s0 =	simm.s32 @p1 $0x1  }
0x15: {  	[smem:$0x3FB5] =	sst s0;
	s0 =	simm.s32 @!p2 $0x0  }
0x16: {  	s3 =	sld [smem:$0x3FDB];
	s0 =	simm.s32 @p2 $0x1  }
0x17: {  	s4 =	simm.s32 $0x1BF5;
	[smem:$0x3FB7] =	sst s0  }
0x18: {  	s0 =	sld [smem:$0x3F9A];
	_ =	swait.ge [sflag:s4], $0x0  }
0x19: {  	s7 =	sld [smem:$0x3F9B]  }
0x1a: {  	s8 =	sadd.s32 $0xFFFFE003, lr  }
0x1b: {  	s9 =	sadd.s32 $0xFFFFFEF7, lr;
	s5 =	simm.s32 $0xFFFFFFFF;
	p2 =	slt.u32 s8, $0xFFFFF086  }
0x1c: {  	p1 =	slt.u32 s9, $0xF7A;
	s5 =	simm.s32 @!p2 $0x0  }
0x1d: {  	s5 =	simm.s32 @p1 $0x1;
	p0 =	seq.s32 s7, s2  }
0x1e: {  	s7 =	smul.u32 @!p0 $0xF7A, s2;
	p2 =	seq.s32 @!p0 s5, $0x0  }
0x1f: {  	s9 =	smul.u32 $0xF7A, s1;
	s8 =	simm.s32 @!p0 $0x1BF5;
	p2 =	por !p2, p0  }
0x20: {  	[sflag:s8] =	ssyncset.s32 @!p0 $0xFFFFF086;
	s6 =	sadd.s32 @!p0 s3, s7;
	s7 =	simm.s32 @!p0 $0x108  }
0x21: {  	s3 =	sadd.s32 s3, s9;
	s6 =	sadd.s32 @!p0 $0x88, s6;
	s7 =	simm.s32 @p2 $0x1082  }
0x22: {  	[simem:s7], [sflag:s8] =	dma.local @!p0 [hbm:s6], $0xF7A  }
0x23: {  	s9 =	sor.u32 $0xD0000000, s2;
	s6 =	simm.s32 $0x108;
	_ =	swait.ge @!p0 [sflag:s8], $0x0  }
0x24: {  	s3 =	sadd.s32 $0x88, s3;
	s6 =	simm.s32 @!p1 $0x1082;
	[sflag:s4] =	ssyncset.s32 $0xFFFFF086  }
0x25: {  	[simem:s6], [sflag:s4] =	dma.local [hbm:s3], $0xF7A  }
0x26: {  	[smem:$0x3F9B] =	sst s1;
	(tag) =	ssettag s2;
	_ =	strace s9  }
0x27: {  	s1 =	sld [smem:$0x3FAB]  }
0x28: {  	s2 =	sld [smem:$0x3FAC]  }
0x29: {  	s4 =	sld [smem:$0x3FAE]  }
0x2a: {  	p0 =	seq.s32 s5, $0x0;
	s5 =	sld [smem:$0x3FAF]  }
0x2b: {  	s6 =	sld [smem:$0x3FB0]  }
0x2c: {  	s7 =	sld [smem:$0x3FB1]  }
0x2d: {  	s3 =	simm.s32 $0x108;
	s8 =	sld [smem:$0x3FB2]  }
0x2e: {  	s3 =	simm.s32 @!p0 $0x1082;
	s9 =	sld [smem:$0x3FB3]  }
0x2f: {  	lr =	sadd.s32 s0, s3;
	s0 =	sld [smem:$0x3FAA]  }
0x30: {  	s3 =	sld [smem:$0x3FAD]  }
0x31: {  	[smem:$0x3FB6] =	sst s10  }
0x32: {  	s10 =	sld [smem:$0x3FB4];
	_ =	sdelay $0x3  }
0x33: {  	p0 =	seq.s32 s10, $0x1;
	s10 =	sld [smem:$0x3FB6];
	_ =	sdelay $0x3  }
0x34: {  	[smem:$0x3FB6] =	sst s10  }
0x35: {  	s10 =	sld [smem:$0x3FB5];
	_ =	sdelay $0x3  }
0x36: {  	p1 =	seq.s32 s10, $0x1;
	s10 =	sld [smem:$0x3FB6];
	_ =	sdelay $0x3  }
0x37: {  	[smem:$0x3FB6] =	sst s10  }
0x38: {  	s10 =	sld [smem:$0x3FB7]  }
0x39: {  	_ = 	snop;
	(pc) =	sbr.ind lr, $3  }
0x3a: {  	_ = 	snop  }
0x3b: {  	_ = 	snop  }
0x3c: {  	p2 =	seq.s32 s10, $0x1;
	s10 =	sld [smem:$0x3FB6]  }
0x3d: {  	_ =	shalt  }
0x3e: {  	_ =	shalt  }
0x3f: {  	_ =	shalt  }
0x40: {  	_ =	shalt  }
0x41: {  	_ =	shalt  }
0x42: {  	_ =	shalt  }
0x43: {  	_ =	shalt  }
0x44: {  	_ =	shalt  }
0x45: {  	_ =	shalt  }
0x46: {  	_ =	shalt  }
0x47: {  	_ =	shalt  }
0x48: {  	_ =	shalt  }
0x49: {  	_ =	shalt  }
0x4a: {  	_ =	shalt  }
0x4b: {  	_ =	shalt  }
0x4c: {  	_ =	shalt  }
0x4d: {  	_ =	shalt  }
0x4e: {  	_ =	shalt  }
0x4f: {  	_ =	shalt  }
0x50: {  	_ =	shalt  }
0x51: {  	_ =	shalt  }
0x52: {  	_ =	shalt  }
0x53: {  	_ =	shalt  }
0x54: {  	_ =	shalt  }
0x55: {  	_ =	shalt  }
0x56: {  	_ =	shalt  }
0x57: {  	_ =	shalt  }
0x58: {  	_ =	shalt  }
0x59: {  	_ =	shalt  }
0x5a: {  	_ =	shalt  }
0x5b: {  	_ =	shalt  }
0x5c: {  	_ =	shalt  }
0x5d: {  	_ =	shalt  }
0x5e: {  	_ =	shalt  }
0x5f: {  	_ =	shalt  }
0x60: {  	_ =	shalt  }
0x61: {  	_ =	shalt  }
0x62: {  	_ =	shalt  }
0x63: {  	_ =	shalt  }
0x64: {  	_ =	shalt  }
0x65: {  	_ =	shalt  }
0x66: {  	_ =	shalt  }
0x67: {  	_ =	shalt  }
0x68: {  	_ =	shalt  }
0x69: {  	_ =	shalt  }
0x6a: {  	_ =	shalt  }
0x6b: {  	_ =	shalt  }
0x6c: {  	_ =	shalt  }
0x6d: {  	_ =	shalt  }
0x6e: {  	_ =	shalt  }
0x6f: {  	_ =	shalt  }
0x70: {  	_ =	shalt  }
0x71: {  	_ =	shalt  }
0x72: {  	_ =	shalt  }
0x73: {  	_ =	shalt  }
0x74: {  	_ =	shalt  }
0x75: {  	_ =	shalt  }
0x76: {  	_ =	shalt  }
0x77: {  	_ =	shalt  }
0x78: {  	_ =	shalt  }
0x79: {  	_ =	shalt  }
0x7a: {  	_ =	shalt  }
0x7b: {  	_ =	shalt  }
0x7c: {  	_ =	shalt  }
0x7d: {  	_ =	shalt  }
0x7e: {  	_ =	shalt  }
0x7f: {  	_ =	shalt  }
0x80: {  	_ =	shalt  }
0x81: {  	_ =	shalt  }
0x82: {  	_ =	shalt  }
0x83: {  	_ =	shalt  }
0x84: {  	_ =	shalt  }
0x85: {  	_ =	shalt  }
0x86: {  	_ =	shalt  }
0x87: {  	_ =	shalt  }
.Lfunc_end0:
.L_simem_size_0:
called_computation.1_lowered:
.L_overlay_start_0:
0x88: {  	s2 =	sld [smem:$0x3FD9]  }
0x89: {  	s3 =	sld [smem:$0x3FFE];
	_ =	sdelay $0x1  }
0x8a: {  	s1 =	srdreg.scid  }
0x8b: {  	s0 =	sand.u32 $0x1, s1  }
0x8c: {  	s16 =	sshll.u32 s0, $0xA;
	s2 =	sadd.s32 s3, s2  }
0x8d: {  	s2 =	sadd.s32 s2, s16  }
0x8e: {  	[smem:$0x3FC2] =	sst s2  }
0x8f: {  	_ = 	snop  }
0x90: {  	(tm) =	ssettm $0x1  }
0x91: {  	s17 =	sld [smem:$0x3FFB];
	_ =	sdelay $0x3  }
0x92: {  	_ =	strace s17  }
0x93: {  	s2 =	sld [smem:$0x3FFC];
	_ =	sdelay $0x3  }
0x94: {  	_ =	strace s2  }
0x95: {  	s2 =	sld [smem:$0x3FFD];
	_ =	sdelay $0x3  }
0x96: {  	_ =	strace s2  }
0x97: {  	_ =	strace $0x8FFFFFFF  }
0x98: {  	s18 =	sld [smem:$0x3FDB];
	_ =	sdelay $0x1  }
0x99: {  	s19 =	simm.s32 $_scs_section_size  }
0x9a: {  	s4 =	simm.s32 $_size__tile_overlayer_lowered;
	s5 =	simm.s32 $_tile_overlayer_lowered  }
0x9b: {  	s22 =	simm.s32 $0x1BFF;
	s21 =	sshll.u32 s5, $0x1;
	s2 =	sadd.s32 s19, s18  }
0x9c: {  	s6 =	simm.s32 $0x0;
	s20 =	sshll.u32 s4, $0x1;
	s4 =	sadd.s32 s21, s2  }
0x9d: {  	[timem:s6], [sflag:s22] =	dma.local [hbm:s4], s20  }
0x9e: {  	_ =	swait.ge [sflag:s22], s20  }
0x9f: {  	s3 =	ssub.s32 $0x0, s20;
	[sflag:s22] =	ssyncset.done $0x0  }
0xa0: {  	[sflag:s22] =	ssyncadd.s32 s3;
	_ =	sdelay $0x1  }
0xa1: {  	s23 =	simm.s32 $0x1B8B  }
0xa2: {  	_ =	swait.ge [sflag:s23], $0x1  }
0xa3: {  	[sflag:s23] =	ssyncset.done $0x0  }
0xa4: {  	s25 =	simm.s32 $0x1B8E;
	s24 =	sld [smem:$0x3FFE];
	[sflag:s23] =	ssyncadd.s32 $0xFFFFFFFF  }
0xa5: {  	s26 =	simm.s32 $execute0_lowered;
	[smem:$0x3FD2] =	sst s25  }
0xa6: {  	s4 =	sshll.u32 s26, $0x1;
	_ =	strace $0x80000046;
	[dreg:$0x1] =	wrdreg $0xFFFFFFFF  }
0xa7: {  	s28 =	simm.s32 $_size_execute0_lowered;
	s2 =	sadd.s32 s2, s4;
	[dreg:$0x0] =	wrdreg $0x0  }
0xa8: {  	s4 =	sshll.u32 s28, $0x1;
	[dreg:$0x2] =	wrdreg s2  }
0xa9: {  	[dreg:$0x3] =	wrdreg s4  }
0xaa: {  	[dreg:$0x4] =	wrdreg $0xC0  }
0xab: {  	_ =	task [dreg:s6], $0x5FFFF  }
0xac: {  	[dreg:$0x1] =	wrdreg $0xFFFFFFFF  }
0xad: {  	[dreg:$0x0] =	wrdreg $0x60  }
0xae: {  	[dreg:$0x2] =	wrdreg s24  }
0xaf: {  	[dreg:$0x3] =	wrdreg $0xA  }
0xb0: {  	_ =	task.clear_ibuf [dreg:s6], $0x4FFFF;
	_ =	strace $0x90000046  }
0xb1: {  	s29 =	simm.s32 $0xA;
	_ =	strace $0x80000048  }
0xb2: {  	_ =	swait.ge [sflag:s29], $0x1  }
0xb3: {  	[sflag:s29] =	ssyncadd.s32 $0xFFFFFFFF  }
0xb4: {  	_ =	strace $0x90000048  }
0xb5: {  	_ =	sfence  }
0xb6: {  	s30 =	sld [smem:$0x0];
	_ =	sdelay $0x2  }
0xb7: {  	s31 =	sshll.u32 s1, $0xD;
	s1 =	sshrl.u32 s1, $0x2  }
0xb8: {  	s3 =	sand.u32 $0x4000, s31;
	s1 =	sadd.s32 s1, s30  }
0xb9: {  	s0 =	sor.u32 s3, s0;
	s1 =	sshll.u32 s1, $0x11  }
0xba: {  	s0 =	sor.u32 s1, s0  }
0xbb: {  	s0 =	sadd.s32 $0x8F2B, s0  }
0xbc: {  	[sflag:s0] =	ssyncadd.remote.s32 $0x1  }
0xbd: {  	_ =	sfence.sel $0xFFFF  }
0xbe: {  	[dreg:$0x0] =	wrdreg $0xFFFFFFFF;
	(pc) =	sbr.abs _section_cstart, $3  }
0xbf: {  	[dreg:$0x1] =	wrdreg $0xFFFFFFFF  }
0xc0: {  	_ =	task.clear_ibuf [dreg:s6], $0x2FFFF;
	_ =	strace $0x9FFFFFFF  }
0xc1: {  	(tm) =	ssettm $0x7FFFFFFF  }
tec
execute0_lowered:
.L_overlay_start_1:
0x0: {  	(tag) =	ssettag $0x1  }
0x1: {  	s0 =	srdreg.scid;
	s5 =	rddreg [dreg:$0x0]  }
0x2: {  	s1 =	stileid.u32;
	s6 =	simm.s32 $0x1;
	s9 =	simm.s32 $0x1  }
0x3: {  	s10 =	simm.s32 $0x3;
	s13 =	simm.s32 $0x0;
	s2 =	sshll.u32 s0, $0x7  }
0x4: {  	s12 =	simm.s32 $0x0;
	s3 =	sshll.u32 s1, $0x8;
	s2 =	sand.u32 $0x80, s2  }
0x5: {  	s0 =	rddreg [dreg:$0x1];
	_ =	strace $0x80000047;
	s2 =	sor.u32 s3, s2  }
0x6: {  	s4 =	sadd.s32 $0x1000, s5;
	[sflag:s6] =	ssyncpa.u1 $0x0;
	s8 =	ssub.s32 $0x2000, s2  }
.Ltmp0:
0x7: {  	s3 =	sadd.s32 $0x1400, s5;
	s7 =	sand.u32 $0xF80, s8;
	(pc) =	sbr.rel .LBB2_1-.Ltmp0, $4  }
0x8: {  	s5 =	sadd.s32 $0x1800, s5;
	s11 =	smov.u32 s2;
	p0 =	sne.s32 s7, $0x0  }
0x9: {  	s8 =	sshrl.u32 s8, $0xC;
	s7 =	simm.s32 $0x2;
	s9 =	simm.s32 @!p0 $0x0  }
0xa: {  	[sflag:s7] =	ssyncpa.u1 $0x0;
	p0 =	por $0x0, $0x0;
	s8 =	sadd.s32 s9, s8  }
0xb: {  	vm0 =	vmmov $0xffff;
	[sflag:s10] =	ssyncpa.u1 $0x0;
	s10 =	simm.s32 $0x0;
	s9 =	sadd.s32 $0x1, s8  }
.LBB2_4:
0xc: {  	v2 =	vnsel vm1, $0x0, v2  }
0xd: {  	vm1 =	vgt.s32 v0, $0x0;
	v2 =	vmin.u32 v2, $0x1FFF  }
0xe: {  	v0 =	vnsel vm1, $0x0, v0  }
0xf: {  	v0 =	vmin.u32 v0, $0x1FFF  }
0x10: {  	[tilespmem:s15], [sflag:$0x1] =	stream.indirect_vreg.gather [hbm4b:s3+s10], $0x1, v1, vm0, $0x4038;
	[tilespmem:$0x200] =	vst v63  }
0x11: {  	(ifvalue) =	ssetifvalue $0x7FFFFFFF  }
0x12: {  	[tilespmem:s16], [sflag:$0x1] =	stream.indirect_vreg.gather [hbm4b:s3+s10], $0x1, v2, vm0, $0x4038;
	[tilespmem:$0x200] =	vst v63  }
0x13: {  	s29 =	sadd.s32 $0x10, s16;
	(ifvalue) =	ssetifvalue $0x7FFFFFFF  }
0x14: {  	[tilespmem:s29], [sflag:$0x1] =	stream.indirect_vreg.gather [hbm4b:s3+s10], $0x1, v0, vm0, $0x4038;
	[tilespmem:$0x200] =	vst v63  }
0x15: {  	_ =	swait.ge [sflag:s6], $0x80  }
0x16: {  	s30 =	sshrl.u32 s13, $0x3;
	[sflag:s6] =	ssyncset.done $0x0  }
0x17: {  	s31 =	sand.u32 $0x7, s13;
	s15 =	sadd.s32 s5, s30;
	[sflag:s6] =	ssyncadd.s32 $0xFFFFFF80  }
0x18: {  	[hbm4b:s15+s31] =	stream.linear.scatter [tilespmem:s14], [sflag:$0x3], $0x80, $0x38;
	[tilespmem:$0x200] =	vst v63  }
.LBB2_5:
0x19: {  	s15 =	sadd.s32 $0x1000, s11  }
0x1a: {  	p2 =	sgt.s32 s15, $0x1FFF  }
0x1b: {  	s15 =	smov.u32 @p2 s2;
	p2 =	sne.s32 s12, s9  }
.Ltmp1:
0x1c: {  	p1 =	slt.u32 s12, $0x2;
	(pc) =	sbr.rel @!p2 .LBB2_6-.Ltmp1, $4  }
0x1d: {  	s14 =	simm.s32 @!p1 $0x3  }
0x1e: {  	s16 =	sadd.s32 $0x1, s12;
	_ =	swait.ge @!p1 [sflag:s14], $0x80  }
0x1f: {  	s13 =	smov.u32 s11;
	p0 =	por !p0, !p0;
	[sflag:s14] =	ssyncset.done @!p1 $0x0  }
0x20: {  	s12 =	smov.u32 s16;
	s11 =	smov.u32 s15;
	[sflag:s14] =	ssyncadd.s32 @!p1 $0xFFFFFF80  }
.LBB2_1:
0x21: {  	p1 =	sge.u32 s12, s8  }
0x22: {  	s14 =	sxor.u32 @!p1 $0xFFFFFFFF, s12  }
0x23: {  	s31 =	sadd.s32 $0xFFFFFFFF, s12;
	s15 =	sshrl.u32 @!p1 s11, $0x3;
	s14 =	sshll.u32 @!p1 s14, $0x7  }
0x24: {  	s16 =	sand.u32 @!p1 $0x7, s11;
	s15 =	sadd.s32 @!p1 s4, s15;
	s14 =	sand.u32 @!p1 $0x80, s14  }
0x25: {  	[tilespmem:s14], [sflag:$0x2] =	stream.linear.gather @!p1 [hbm4b:s15+s16], $0x80, $0x38;
	[tilespmem:$0x200] =	vst v63  }
0x26: {  	p1 =	sge.u32 s31, s8  }
.Ltmp2:
0x27: {  	_ = 	snop;
	(pc) =	sbr.rel @p1 .LBB2_5-.Ltmp2, $1  }
0x28: {  	_ =	sdelay $0x3  }
0x29: {  	s14 =	simm.s32 $0x1  }
0x2a: {  	_ =	swait.ge [sflag:s7], $0x80;
	s14 =	simm.s32 @!p0 $0x0  }
0x2b: {  	[sflag:s7] =	ssyncset.done $0x0;
	s14 =	sshll.u32 s14, $0x7  }
0x2c: {  	[sflag:s7] =	ssyncadd.s32 $0xFFFFFF80;
	(ifvalue) =	ssetifvalue $0x7FFFFFFF;
	v0 =	vld.msk [tilespmem:s14+$0x0 ss:$0x1], $0xffff;
	_ =	sdelay $0x4  }
0x2d: {  	s15 =	sadd.s32 $0x10, s14;
	vm1 =	vgt.s32 v0, $0x0  }
0x2e: {  	v2 =	vld.msk [tilespmem:s15+$0x0 ss:$0x1], $0xffff;
	v1 =	vnsel vm1, $0x0, v0  }
0x2f: {  	v1 =	vmin.u32 v1, $0x1FFF;
	_ =	sdelay $0x1  }
0x30: {  	s16 =	sshll.u32 s12, $0x7;
	s18 =	simm.s32 $0x20  }
0x31: {  	s16 =	sand.u32 $0x80, s16;
	s17 =	sadd.s32 $0x10, s15;
	s15 =	sor.u32 $0x100, s14  }
0x32: {  	s14 =	sor.u32 $0x100, s16;
	s16 =	sadd.s32 $0x10, s15;
	v0 =	vld.msk [tilespmem:s17+$0x0 ss:$0x1], $0xffff;
	vm1 =	vgt.s32 v2, $0x0;
	(ifvalue) =	ssetifvalue $0x7FFFFFFF  }
.LBB2_3:
0x33: {  	[tilespmem:s15], [sflag:$0x1] =	stream.indirect_vreg.gather [hbm4b:s3+s10], $0x1, v1, vm0, $0x4038;
	[tilespmem:$0x200] =	vst v63  }
0x34: {  	s18 =	sadd.s32 $0x10, s18  }
0x35: {  	v2 =	vnsel vm1, $0x0, v2;
	p1 =	slt.u32 s18, $0x70  }
.Ltmp3:
0x36: {  	s15 =	smov.u32 s16;
	v1 =	vmin.u32 v2, $0x1FFF;
	(pc) =	sbr.rel @p1 .LBB2_3-.Ltmp3, $3  }
0x37: {  	_ =	sdelay $0x1  }
0x38: {  	s17 =	sadd.s32 $0x10, s17  }
0x39: {  	vm1 =	vgt.s32 v0, $0x0;
	s16 =	sadd.s32 $0x10, s16;
	v2 =	vmov v0;
	(ifvalue) =	ssetifvalue $0x7FFFFFFF;
	v0 =	vld.msk [tilespmem:s17+$0x0 ss:$0x1], $0xffff  }
.Ltmp4:
0x3a: {  	_ = 	snop;
	(pc) =	sbr.rel .LBB2_4-.Ltmp4, $1  }
0x3b: {  	_ =	sdelay $0x3  }
.LBB2_6:
0x3c: {  	_ =	sfence.sel $0x180000  }
0x3d: {  	s2 =	simm.s32 $0x2;
	[bflag:$0x0] =	sbarrier.arrive $0xFFFF  }
0x3e: {  	s30 =	simm.s32 $0x3;
	[sflag:s2] =	ssyncpa.u1 $0x1  }
0x3f: {  	s31 =	simm.s32 $0x1;
	[sflag:s30] =	ssyncpa.u1 $0x1  }
0x40: {  	[sflag:s31] =	ssyncpa.u1 $0x1  }
0x41: {  	p0 =	sne.s32 s1, $0x0;
	_ =	strace $0x90000047  }
0x42: {  	s0 =	sadd.s32 @!p0 $0x100000, s0;
	[bflag:$0x2] =	sbarrier.arrive $0xFFFF  }
0x43: {  	[sflag:s0] =	ssyncadd.tile.s32 @!p0 $0x1;
	_ =	shalt  }
.Lfunc_end2:
_tile_overlayer_lowered:
.L_overlay_start_2:
0x44: {  	(tag) =	ssettag $0x2  }
0x45: {  	s0 =	rddreg [dreg:$0x0];
	s2 =	stileid.u32  }
0x46: {  	s1 =	rddreg [dreg:$0x1];
	p0 =	sne.s32 s2, $0x0  }
0x47: {  	s3 =	rddreg [dreg:$0x2];
	[bflag:$0x3] =	sbarrier.arrive $0xFFFF;
	s2 =	simm.s32 @!p0 $0x1C01  }
0x48: {  	[timem:s3], [sflag:s2] =	dma.local @!p0 [hbm:s0], s1  }
0x49: {  	s0 =	simm.s32 @!p0 $0x1  }
0x4a: {  	_ =	swait.ge @!p0 [sflag:s0], s1  }
0x4b: {  	s1 =	ssub.s32 @!p0 $0x0, s1;
	[sflag:s0] =	ssyncset.done @!p0 $0x0  }
0x4c: {  	[sflag:s0] =	ssyncadd.s32 @!p0 s1  }
0x4d: {  	[bflag:$0x3] =	sbarrier.arrive $0xFFFF  }
0x4e: {  	_ =	shalt  }

// kernel: kernel.4.cloned.1.call-start
scs
__scs_entry_jumppad:
0x0: {  	(pc) =	sbr.rel $0x88, $3  }
0x1: {  	(tag) =	ssettag $0x0;
	lr =	simm.s32 $0x1  }
0x2: {  	[smem:$0x3F9B] =	sst lr;
	_ =	strace $0xD0000000  }
0x3: {  	_ = 	snop  }
0x4: {  	_ = 	snop  }
0x5: {  	_ = 	snop  }
0x6: {  	_ = 	snop  }
0x7: {  	_ = 	snop  }
__scs_overlays_trampoline_lowered:
0x8: {  	[smem:$0x3FAA] =	sst s0  }
0x9: {  	[smem:$0x3FAB] =	sst s1  }
0xa: {  	[smem:$0x3FAC] =	sst s2  }
0xb: {  	[smem:$0x3FAD] =	sst s3  }
0xc: {  	[smem:$0x3FAE] =	sst s4  }
0xd: {  	[smem:$0x3FAF] =	sst s5  }
0xe: {  	[smem:$0x3FB0] =	sst s6  }
0xf: {  	[smem:$0x3FB1] =	sst s7  }
0x10: {  	[smem:$0x3FB2] =	sst s8  }
0x11: {  	[smem:$0x3FB3] =	sst s9;
	s0 =	simm.s32 @!p0 $0x0  }
0x12: {  	s1 =	sld [smem:$0x3F99];
	s0 =	simm.s32 @p0 $0x1  }
0x13: {  	[smem:$0x3FB4] =	sst s0;
	s0 =	simm.s32 @!p1 $0x0  }
0x14: {  	s2 =	sld [smem:$0x3F98];
	s0 =	simm.s32 @p1 $0x1  }
0x15: {  	[smem:$0x3FB5] =	sst s0;
	s0 =	simm.s32 @!p2 $0x0  }
0x16: {  	s3 =	sld [smem:$0x3FDB];
	s0 =	simm.s32 @p2 $0x1  }
0x17: {  	s4 =	simm.s32 $0x1BF5;
	[smem:$0x3FB7] =	sst s0  }
0x18: {  	s0 =	sld [smem:$0x3F9A];
	_ =	swait.ge [sflag:s4], $0x0  }
0x19: {  	s7 =	sld [smem:$0x3F9B]  }
0x1a: {  	s8 =	sadd.s32 $0xFFFFE003, lr  }
0x1b: {  	s9 =	sadd.s32 $0xFFFFFEF7, lr;
	s5 =	simm.s32 $0xFFFFFFFF;
	p2 =	slt.u32 s8, $0xFFFFF086  }
0x1c: {  	p1 =	slt.u32 s9, $0xF7A;
	s5 =	simm.s32 @!p2 $0x0  }
0x1d: {  	s5 =	simm.s32 @p1 $0x1;
	p0 =	seq.s32 s7, s2  }
0x1e: {  	s7 =	smul.u32 @!p0 $0xF7A, s2;
	p2 =	seq.s32 @!p0 s5, $0x0  }
0x1f: {  	s9 =	smul.u32 $0xF7A, s1;
	s8 =	simm.s32 @!p0 $0x1BF5;
	p2 =	por !p2, p0  }
0x20: {  	[sflag:s8] =	ssyncset.s32 @!p0 $0xFFFFF086;
	s6 =	sadd.s32 @!p0 s3, s7;
	s7 =	simm.s32 @!p0 $0x108  }
0x21: {  	s3 =	sadd.s32 s3, s9;
	s6 =	sadd.s32 @!p0 $0x88, s6;
	s7 =	simm.s32 @p2 $0x1082  }
0x22: {  	[simem:s7], [sflag:s8] =	dma.local @!p0 [hbm:s6], $0xF7A  }
0x23: {  	s9 =	sor.u32 $0xD0000000, s2;
	s6 =	simm.s32 $0x108;
	_ =	swait.ge @!p0 [sflag:s8], $0x0  }
0x24: {  	s3 =	sadd.s32 $0x88, s3;
	s6 =	simm.s32 @!p1 $0x1082;
	[sflag:s4] =	ssyncset.s32 $0xFFFFF086  }
0x25: {  	[simem:s6], [sflag:s4] =	dma.local [hbm:s3], $0xF7A  }
0x26: {  	[smem:$0x3F9B] =	sst s1;
	(tag) =	ssettag s2;
	_ =	strace s9  }
0x27: {  	s1 =	sld [smem:$0x3FAB]  }
0x28: {  	s2 =	sld [smem:$0x3FAC]  }
0x29: {  	s4 =	sld [smem:$0x3FAE]  }
0x2a: {  	p0 =	seq.s32 s5, $0x0;
	s5 =	sld [smem:$0x3FAF]  }
0x2b: {  	s6 =	sld [smem:$0x3FB0]  }
0x2c: {  	s7 =	sld [smem:$0x3FB1]  }
0x2d: {  	s3 =	simm.s32 $0x108;
	s8 =	sld [smem:$0x3FB2]  }
0x2e: {  	s3 =	simm.s32 @!p0 $0x1082;
	s9 =	sld [smem:$0x3FB3]  }
0x2f: {  	lr =	sadd.s32 s0, s3;
	s0 =	sld [smem:$0x3FAA]  }
0x30: {  	s3 =	sld [smem:$0x3FAD]  }
0x31: {  	[smem:$0x3FB6] =	sst s10  }
0x32: {  	s10 =	sld [smem:$0x3FB4];
	_ =	sdelay $0x3  }
0x33: {  	p0 =	seq.s32 s10, $0x1;
	s10 =	sld [smem:$0x3FB6];
	_ =	sdelay $0x3  }
0x34: {  	[smem:$0x3FB6] =	sst s10  }
0x35: {  	s10 =	sld [smem:$0x3FB5];
	_ =	sdelay $0x3  }
0x36: {  	p1 =	seq.s32 s10, $0x1;
	s10 =	sld [smem:$0x3FB6];
	_ =	sdelay $0x3  }
0x37: {  	[smem:$0x3FB6] =	sst s10  }
0x38: {  	s10 =	sld [smem:$0x3FB7]  }
0x39: {  	_ = 	snop;
	(pc) =	sbr.ind lr, $3  }
0x3a: {  	_ = 	snop  }
0x3b: {  	_ = 	snop  }
0x3c: {  	p2 =	seq.s32 s10, $0x1;
	s10 =	sld [smem:$0x3FB6]  }
0x3d: {  	_ =	shalt  }
0x3e: {  	_ =	shalt  }
0x3f: {  	_ =	shalt  }
0x40: {  	_ =	shalt  }
0x41: {  	_ =	shalt  }
0x42: {  	_ =	shalt  }
0x43: {  	_ =	shalt  }
0x44: {  	_ =	shalt  }
0x45: {  	_ =	shalt  }
0x46: {  	_ =	shalt  }
0x47: {  	_ =	shalt  }
0x48: {  	_ =	shalt  }
0x49: {  	_ =	shalt  }
0x4a: {  	_ =	shalt  }
0x4b: {  	_ =	shalt  }
0x4c: {  	_ =	shalt  }
0x4d: {  	_ =	shalt  }
0x4e: {  	_ =	shalt  }
0x4f: {  	_ =	shalt  }
0x50: {  	_ =	shalt  }
0x51: {  	_ =	shalt  }
0x52: {  	_ =	shalt  }
0x53: {  	_ =	shalt  }
0x54: {  	_ =	shalt  }
0x55: {  	_ =	shalt  }
0x56: {  	_ =	shalt  }
0x57: {  	_ =	shalt  }
0x58: {  	_ =	shalt  }
0x59: {  	_ =	shalt  }
0x5a: {  	_ =	shalt  }
0x5b: {  	_ =	shalt  }
0x5c: {  	_ =	shalt  }
0x5d: {  	_ =	shalt  }
0x5e: {  	_ =	shalt  }
0x5f: {  	_ =	shalt  }
0x60: {  	_ =	shalt  }
0x61: {  	_ =	shalt  }
0x62: {  	_ =	shalt  }
0x63: {  	_ =	shalt  }
0x64: {  	_ =	shalt  }
0x65: {  	_ =	shalt  }
0x66: {  	_ =	shalt  }
0x67: {  	_ =	shalt  }
0x68: {  	_ =	shalt  }
0x69: {  	_ =	shalt  }
0x6a: {  	_ =	shalt  }
0x6b: {  	_ =	shalt  }
0x6c: {  	_ =	shalt  }
0x6d: {  	_ =	shalt  }
0x6e: {  	_ =	shalt  }
0x6f: {  	_ =	shalt  }
0x70: {  	_ =	shalt  }
0x71: {  	_ =	shalt  }
0x72: {  	_ =	shalt  }
0x73: {  	_ =	shalt  }
0x74: {  	_ =	shalt  }
0x75: {  	_ =	shalt  }
0x76: {  	_ =	shalt  }
0x77: {  	_ =	shalt  }
0x78: {  	_ =	shalt  }
0x79: {  	_ =	shalt  }
0x7a: {  	_ =	shalt  }
0x7b: {  	_ =	shalt  }
0x7c: {  	_ =	shalt  }
0x7d: {  	_ =	shalt  }
0x7e: {  	_ =	shalt  }
0x7f: {  	_ =	shalt  }
0x80: {  	_ =	shalt  }
0x81: {  	_ =	shalt  }
0x82: {  	_ =	shalt  }
0x83: {  	_ =	shalt  }
0x84: {  	_ =	shalt  }
0x85: {  	_ =	shalt  }
0x86: {  	_ =	shalt  }
0x87: {  	_ =	shalt  }
.Lfunc_end0:
.L_simem_size_0:
called_computation.3_lowered:
.L_overlay_start_0:
0x88: {  	s2 =	sld [smem:$0x3FD9]  }
0x89: {  	s3 =	sld [smem:$0x3FFE];
	_ =	sdelay $0x1  }
0x8a: {  	s1 =	srdreg.scid  }
0x8b: {  	s0 =	sand.u32 $0x1, s1  }
0x8c: {  	s17 =	sshll.u32 s0, $0xA;
	s2 =	sadd.s32 s3, s2  }
0x8d: {  	s2 =	sadd.s32 s2, s17  }
0x8e: {  	[smem:$0x3FC2] =	sst s2  }
0x8f: {  	_ = 	snop  }
0x90: {  	s18 =	sld [smem:$0x3FC9];
	(tm) =	ssettm $0x1  }
0x91: {  	s19 =	sld [smem:$0x3FFB];
	_ =	sdelay $0x3  }
0x92: {  	_ =	strace s19  }
0x93: {  	s2 =	sld [smem:$0x3FFC];
	_ =	sdelay $0x3  }
0x94: {  	_ =	strace s2  }
0x95: {  	s2 =	sld [smem:$0x3FFD];
	_ =	sdelay $0x3  }
0x96: {  	_ =	strace s2  }
0x97: {  	_ =	strace $0x8FFFFFFF  }
0x98: {  	s20 =	sld [smem:$0x3FDB];
	_ =	sdelay $0x1  }
0x99: {  	s4 =	simm.s32 $_scs_section_size  }
0x9a: {  	s5 =	simm.s32 $_size__tile_overlayer_lowered;
	s6 =	simm.s32 $_tile_overlayer_lowered  }
0x9b: {  	s7 =	simm.s32 $0x1BFF;
	s21 =	sshll.u32 s6, $0x1;
	s4 =	sadd.s32 s4, s20  }
0x9c: {  	s22 =	simm.s32 $0x0;
	s5 =	sshll.u32 s5, $0x1;
	s6 =	sadd.s32 s21, s4  }
0x9d: {  	[timem:s22], [sflag:s7] =	dma.local [hbm:s6], s5  }
0x9e: {  	_ =	swait.ge [sflag:s7], s5  }
0x9f: {  	s5 =	ssub.s32 $0x0, s5;
	[sflag:s7] =	ssyncset.done $0x0  }
0xa0: {  	[sflag:s7] =	ssyncadd.s32 s5;
	_ =	sdelay $0x1  }
0xa1: {  	s23 =	simm.s32 $0x1B8B  }
0xa2: {  	_ =	swait.ge [sflag:s23], $0x1  }
0xa3: {  	[sflag:s23] =	ssyncset.done $0x0  }
0xa4: {  	[sflag:s23] =	ssyncadd.s32 $0xFFFFFFFF  }
0xa5: {  	s5 =	sld [smem:$0x0]  }
0xa6: {  	s6 =	sand.u32 $0xFFFFFFFE, s1  }
0xa7: {  	p0 =	sne.s32 s1, s6  }
0xa8: {  	s6 =	sshll.u32 @p0 s6, $0xE  }
0xa9: {  	s6 =	sadd.s32 @p0 $0x11B8D, s6;
	s7 =	sshll.u32 @p0 s5, $0x11  }
0xaa: {  	s6 =	sor.u32 @p0 s7, s6  }
0xab: {  	[sflag:s6] =	ssyncadd.remote.s32 @p0 $0x1;
	_ =	sdelay $0x1  }
0xac: {  	s6 =	simm.s32 @p0 $0x1B8D  }
0xad: {  	_ =	swait.eq @p0 [sflag:s6], $0x1  }
0xae: {  	[sflag:s6] =	ssyncadd.s32 @p0 $0xFFFFFFFF  }
0xaf: {  	s7 =	sshll.u32 @!p0 s1, $0xE  }
0xb0: {  	s7 =	sor.u32 @!p0 $0x4000, s7;
	s6 =	simm.s32 @!p0 $0x1B8D  }
0xb1: {  	s5 =	sshll.u32 @!p0 s5, $0x11;
	s7 =	sadd.s32 @!p0 $0x11B8D, s7;
	_ =	swait.eq @!p0 [sflag:s6], $0x1  }
0xb2: {  	s5 =	sor.u32 @!p0 s5, s7;
	[sflag:s6] =	ssyncadd.s32 @!p0 $0xFFFFFFFF  }
0xb3: {  	s25 =	simm.s32 $0x1B8E;
	s24 =	sld [smem:$0x3FFE];
	[sflag:s5] =	ssyncadd.remote.s32 @!p0 $0x1  }
0xb4: {  	s26 =	simm.s32 $execute0_lowered;
	[smem:$0x3FD2] =	sst s25  }
0xb5: {  	s6 =	sshll.u32 s26, $0x1;
	_ =	strace $0x8000004C;
	[dreg:$0x1] =	wrdreg $0xFFFFFFFF  }
0xb6: {  	s28 =	simm.s32 $_size_execute0_lowered;
	s4 =	sadd.s32 s4, s6;
	[dreg:$0x0] =	wrdreg $0x0  }
0xb7: {  	s6 =	sshll.u32 s28, $0x1;
	[dreg:$0x2] =	wrdreg s4  }
0xb8: {  	[dreg:$0x3] =	wrdreg s6  }
0xb9: {  	[dreg:$0x4] =	wrdreg $0xC0  }
0xba: {  	_ =	task [dreg:s22], $0x5FFFF  }
0xbb: {  	[dreg:$0x1] =	wrdreg $0xFFFFFFFF  }
0xbc: {  	[dreg:$0x0] =	wrdreg $0x60  }
0xbd: {  	[dreg:$0x2] =	wrdreg s18  }
0xbe: {  	[dreg:$0x3] =	wrdreg s24  }
0xbf: {  	[dreg:$0x4] =	wrdreg $0xA  }
0xc0: {  	_ =	task.clear_ibuf [dreg:s22], $0x5FFFF;
	_ =	strace $0x9000004C  }
0xc1: {  	s29 =	simm.s32 $0xA;
	_ =	strace $0x8000004E  }
0xc2: {  	_ =	swait.ge [sflag:s29], $0x1  }
0xc3: {  	[sflag:s29] =	ssyncadd.s32 $0xFFFFFFFF  }
0xc4: {  	_ =	strace $0x9000004E  }
0xc5: {  	_ =	sfence  }
0xc6: {  	s30 =	sld [smem:$0x0];
	_ =	sdelay $0x2  }
0xc7: {  	s31 =	sshll.u32 s1, $0xD;
	s1 =	sshrl.u32 s1, $0x2  }
0xc8: {  	s4 =	sand.u32 $0x4000, s31;
	s1 =	sadd.s32 s1, s30  }
0xc9: {  	s0 =	sor.u32 s4, s0;
	s1 =	sshll.u32 s1, $0x11  }
0xca: {  	s0 =	sor.u32 s1, s0  }
0xcb: {  	s0 =	sadd.s32 $0x8F2B, s0  }
0xcc: {  	[sflag:s0] =	ssyncadd.remote.s32 $0x1  }
0xcd: {  	_ =	sfence.sel $0xFFFF  }
0xce: {  	[dreg:$0x0] =	wrdreg $0xFFFFFFFF;
	(pc) =	sbr.abs _section_cstart, $3  }
0xcf: {  	[dreg:$0x1] =	wrdreg $0xFFFFFFFF  }
0xd0: {  	_ =	task.clear_ibuf [dreg:s22], $0x2FFFF;
	_ =	strace $0x9FFFFFFF  }
0xd1: {  	(tm) =	ssettm $0x7FFFFFFF  }
tec
execute0_lowered:
.L_overlay_start_1:
0x0: {  	(tag) =	ssettag $0x1  }
0x1: {  	s1 =	rddreg [dreg:$0x0]  }
0x2: {  	s0 =	rddreg [dreg:$0x1]  }
0x3: {  	s2 =	srdreg.scid;
	s3 =	simm.s32 $0x0;
	s4 =	stileid.u32  }
0x4: {  	s18 =	simm.s32 $0x1;
	s2 =	sand.u32 $0x1, s2;
	[smem:$0x7FF] =	sst s3  }
0x5: {  	s4 =	sshll.u32 s4, $0x9;
	s7 =	sadd.s32 $0x1800, s0;
	s0 =	sadd.s32 $0x2200, s0  }
0x6: {  	s5 =	sshll.u32 s2, $0x8;
	_ =	strace $0x8000004D;
	s2 =	ssub.s32 $0x2, s2  }
0x7: {  	s6 =	sor.u32 s5, s4;
	s22 =	sshrl.u32 s2, $0x1;
	s4 =	sadd.s32 $0x100, s1  }
0x8: {  	s5 =	sshrl.u32 s6, $0x3;
	s2 =	ssub.s32 s2, s22;
	s24 =	sshll.u32 s6, $0x7  }
0x9: {  	s8 =	sor.u32 $0x40, s6;
	s26 =	sor.u32 $0x80, s6;
	s6 =	sor.u32 $0xC0, s6  }
0xa: {  	s23 =	sadd.s32 s7, s5;
	s5 =	sadd.s32 s0, s24;
	s9 =	sshrl.u32 s8, $0x3  }
0xb: {  	s8 =	sshll.u32 s8, $0x7;
	s28 =	sshrl.u32 s26, $0x3;
	[dreg:$0x3] =	wrdreg s23  }
0xc: {  	s30 =	sshrl.u32 s6, $0x3;
	[dreg:$0x4] =	wrdreg s5;
	s25 =	sadd.s32 s7, s9  }
0xd: {  	s31 =	sshll.u32 s6, $0x7;
	s8 =	sadd.s32 s0, s8;
	[dreg:$0x5] =	wrdreg s25  }
0xe: {  	s9 =	sshll.u32 s26, $0x7;
	[dreg:$0x6] =	wrdreg s8;
	s8 =	sadd.s32 s7, s28  }
0xf: {  	s6 =	sadd.s32 $0x300, s1;
	s29 =	sadd.s32 s0, s9;
	[dreg:$0x7] =	wrdreg s8  }
0x10: {  	v2 =	vlaneseq.u32;
	s5 =	sadd.s32 $0x200, s1;
	s7 =	sadd.s32 s7, s30;
	[dreg:$0x8] =	wrdreg s29  }
0x11: {  	vm0 =	vmmov $0xffff;
	v1 =	vshrl.u32 v2, $0x3;
	s23 =	simm.s32 $0x80;
	s0 =	sadd.s32 s0, s31;
	[dreg:$0x9] =	wrdreg s7  }
0x12: {  	v0 =	vand.u32 $0x7, v2;
	v2 =	vor.u32 $0x8, v2;
	v1 =	vmul.u32 $0x8, v1;
	[dreg:$0xa] =	wrdreg s0;
	s7 =	smax.u32 s2, $0x1;
	s8 =	simm.s32 $0x2  }
.LBB2_1:
0x13: {  	s19 =	rddreg [dreg:$0x3]  }
0x14: {  	[tilespmem:s3], [sflag:$0x2] =	stream.linear.gather [hbm4b:s19+s3], $0x40, $0x38;
	[tilespmem:$0x10080] =	vst v63  }
0x15: {  	_ =	swait.ge [sflag:s8], $0x40  }
0x16: {  	[sflag:s8] =	ssyncset.done $0x0  }
0x17: {  	[sflag:s8] =	ssyncadd.s32 $0xFFFFFFC0  }
0x18: {  	v3 =	vld [tilespmem:$0x0];
	_ =	sdelay $0x4  }
0x19: {  	v4 =	vshll.u32 v3, $0x3  }
0x1a: {  	v3 =	vand.u32 $0x7, v3;
	v4 =	vand.u32 $0xFFFFFFC0, v4  }
0x1b: {  	v3 =	vor.u32 v3, v4  }
0x1c: {  	v4 =	vperm.xlane v3, v0;
	_ =	sdelay $0x1  }
0x1d: {  	v4 =	vadd.s32 v1, v4;
	_ =	sdelay $0x4  }
0x1e: {  	[tilespmem:s23], [sflag:$0x1] =	stream.indirect_vreg.gather [hbm4b:s1+s3], $0x80, v4, vm0, $0xb8;
	[tilespmem:$0x10080] =	vst v63  }
0x1f: {  	s0 =	simm.s32 $0x880;
	v3 =	vperm.xlane v3, v2  }
0x20: {  	[tilespmem:s0], [sflag:$0x1] =	stream.indirect_vreg.gather [hbm4b:s4+s3], $0x80, v4, vm0, $0xb8;
	[tilespmem:$0x10080] =	vst v63  }
0x21: {  	s12 =	simm.s32 $0x1080;
	v3 =	vadd.s32 v1, v3  }
0x22: {  	[tilespmem:s12], [sflag:$0x1] =	stream.indirect_vreg.gather [hbm4b:s5+s3], $0x80, v4, vm0, $0xb8;
	[tilespmem:$0x10080] =	vst v63  }
0x23: {  	s13 =	simm.s32 $0x1880  }
0x24: {  	[tilespmem:s13], [sflag:$0x1] =	stream.indirect_vreg.gather [hbm4b:s6+s3], $0x80, v4, vm0, $0xb8;
	[tilespmem:$0x10080] =	vst v63  }
0x25: {  	s15 =	simm.s32 $0x2080  }
0x26: {  	[tilespmem:s15], [sflag:$0x1] =	stream.indirect_vreg.gather [hbm4b:s1+s3], $0x80, v3, vm0, $0xb8;
	[tilespmem:$0x10080] =	vst v63  }
0x27: {  	s16 =	simm.s32 $0x2880  }
0x28: {  	[tilespmem:s16], [sflag:$0x1] =	stream.indirect_vreg.gather [hbm4b:s4+s3], $0x80, v3, vm0, $0xb8;
	[tilespmem:$0x10080] =	vst v63  }
0x29: {  	s17 =	simm.s32 $0x3080  }
0x2a: {  	[tilespmem:s17], [sflag:$0x1] =	stream.indirect_vreg.gather [hbm4b:s5+s3], $0x80, v3, vm0, $0xb8;
	[tilespmem:$0x10080] =	vst v63  }
0x2b: {  	s19 =	simm.s32 $0x3880  }
0x2c: {  	[tilespmem:s19], [sflag:$0x1] =	stream.indirect_vreg.gather [hbm4b:s6+s3], $0x80, v3, vm0, $0xb8;
	[tilespmem:$0x10080] =	vst v63  }
0x2d: {  	v3 =	vld [tilespmem:$0x10];
	_ =	sdelay $0x4  }
0x2e: {  	v49 =	vshll.u32 v3, $0x3  }
0x2f: {  	v3 =	vand.u32 $0x7, v3;
	v4 =	vand.u32 $0xFFFFFFC0, v49  }
0x30: {  	v3 =	vor.u32 v3, v4  }
0x31: {  	v4 =	vperm.xlane v3, v0;
	_ =	sdelay $0x1  }
0x32: {  	v4 =	vadd.s32 v1, v4;
	_ =	sdelay $0x3  }
0x33: {  	s20 =	simm.s32 $0x4080  }
0x34: {  	[tilespmem:s20], [sflag:$0x1] =	stream.indirect_vreg.gather [hbm4b:s1+s3], $0x80, v4, vm0, $0xb8;
	[tilespmem:$0x10080] =	vst v63  }
0x35: {  	s21 =	simm.s32 $0x4880;
	v3 =	vperm.xlane v3, v2  }
0x36: {  	[tilespmem:s21], [sflag:$0x1] =	stream.indirect_vreg.gather [hbm4b:s4+s3], $0x80, v4, vm0, $0xb8;
	[tilespmem:$0x10080] =	vst v63  }
0x37: {  	s22 =	simm.s32 $0x5080;
	v3 =	vadd.s32 v1, v3  }
0x38: {  	[tilespmem:s22], [sflag:$0x1] =	stream.indirect_vreg.gather [hbm4b:s5+s3], $0x80, v4, vm0, $0xb8;
	[tilespmem:$0x10080] =	vst v63  }
0x39: {  	s24 =	simm.s32 $0x5880  }
0x3a: {  	[tilespmem:s24], [sflag:$0x1] =	stream.indirect_vreg.gather [hbm4b:s6+s3], $0x80, v4, vm0, $0xb8;
	[tilespmem:$0x10080] =	vst v63  }
0x3b: {  	s25 =	simm.s32 $0x6080  }
0x3c: {  	[tilespmem:s25], [sflag:$0x1] =	stream.indirect_vreg.gather [hbm4b:s1+s3], $0x80, v3, vm0, $0xb8;
	[tilespmem:$0x10080] =	vst v63  }
0x3d: {  	s26 =	simm.s32 $0x6880  }
0x3e: {  	[tilespmem:s26], [sflag:$0x1] =	stream.indirect_vreg.gather [hbm4b:s4+s3], $0x80, v3, vm0, $0xb8;
	[tilespmem:$0x10080] =	vst v63  }
0x3f: {  	s28 =	simm.s32 $0x7080  }
0x40: {  	[tilespmem:s28], [sflag:$0x1] =	stream.indirect_vreg.gather [hbm4b:s5+s3], $0x80, v3, vm0, $0xb8;
	[tilespmem:$0x10080] =	vst v63  }
0x41: {  	s29 =	simm.s32 $0x7880  }
0x42: {  	[tilespmem:s29], [sflag:$0x1] =	stream.indirect_vreg.gather [hbm4b:s6+s3], $0x80, v3, vm0, $0xb8;
	[tilespmem:$0x10080] =	vst v63  }
0x43: {  	v3 =	vld [tilespmem:$0x20];
	_ =	sdelay $0x4  }
0x44: {  	v50 =	vshll.u32 v3, $0x3  }
0x45: {  	v3 =	vand.u32 $0x7, v3;
	v4 =	vand.u32 $0xFFFFFFC0, v50  }
0x46: {  	v3 =	vor.u32 v3, v4  }
0x47: {  	v4 =	vperm.xlane v3, v0;
	_ =	sdelay $0x1  }
0x48: {  	v4 =	vadd.s32 v1, v4;
	_ =	sdelay $0x3  }
0x49: {  	s30 =	simm.s32 $0x8080  }
0x4a: {  	[tilespmem:s30], [sflag:$0x1] =	stream.indirect_vreg.gather [hbm4b:s1+s3], $0x80, v4, vm0, $0xb8;
	[tilespmem:$0x10080] =	vst v63  }
0x4b: {  	s16 =	simm.s32 $0x8880;
	v3 =	vperm.xlane v3, v2  }
0x4c: {  	[tilespmem:s16], [sflag:$0x1] =	stream.indirect_vreg.gather [hbm4b:s4+s3], $0x80, v4, vm0, $0xb8;
	[tilespmem:$0x10080] =	vst v63  }
0x4d: {  	s17 =	simm.s32 $0x9080;
	v3 =	vadd.s32 v1, v3  }
0x4e: {  	[tilespmem:s17], [sflag:$0x1] =	stream.indirect_vreg.gather [hbm4b:s5+s3], $0x80, v4, vm0, $0xb8;
	[tilespmem:$0x10080] =	vst v63  }
0x4f: {  	s19 =	simm.s32 $0x9880  }
0x50: {  	[tilespmem:s19], [sflag:$0x1] =	stream.indirect_vreg.gather [hbm4b:s6+s3], $0x80, v4, vm0, $0xb8;
	[tilespmem:$0x10080] =	vst v63  }
0x51: {  	s20 =	simm.s32 $0xA080  }
0x52: {  	[tilespmem:s20], [sflag:$0x1] =	stream.indirect_vreg.gather [hbm4b:s1+s3], $0x80, v3, vm0, $0xb8;
	[tilespmem:$0x10080] =	vst v63  }
0x53: {  	s21 =	simm.s32 $0xA880  }
0x54: {  	[tilespmem:s21], [sflag:$0x1] =	stream.indirect_vreg.gather [hbm4b:s4+s3], $0x80, v3, vm0, $0xb8;
	[tilespmem:$0x10080] =	vst v63  }
0x55: {  	s22 =	simm.s32 $0xB080  }
0x56: {  	[tilespmem:s22], [sflag:$0x1] =	stream.indirect_vreg.gather [hbm4b:s5+s3], $0x80, v3, vm0, $0xb8;
	[tilespmem:$0x10080] =	vst v63  }
0x57: {  	s24 =	simm.s32 $0xB880  }
0x58: {  	[tilespmem:s24], [sflag:$0x1] =	stream.indirect_vreg.gather [hbm4b:s6+s3], $0x80, v3, vm0, $0xb8;
	[tilespmem:$0x10080] =	vst v63  }
0x59: {  	v3 =	vld [tilespmem:$0x30];
	_ =	sdelay $0x4  }
0x5a: {  	v51 =	vshll.u32 v3, $0x3  }
0x5b: {  	v3 =	vand.u32 $0x7, v3;
	v4 =	vand.u32 $0xFFFFFFC0, v51  }
0x5c: {  	v3 =	vor.u32 v3, v4  }
0x5d: {  	v4 =	vperm.xlane v3, v0;
	_ =	sdelay $0x1  }
0x5e: {  	v4 =	vadd.s32 v1, v4;
	_ =	sdelay $0x3  }
0x5f: {  	s25 =	simm.s32 $0xC080  }
0x60: {  	[tilespmem:s25], [sflag:$0x1] =	stream.indirect_vreg.gather [hbm4b:s1+s3], $0x80, v4, vm0, $0xb8;
	[tilespmem:$0x10080] =	vst v63  }
0x61: {  	s26 =	simm.s32 $0xC880;
	v3 =	vperm.xlane v3, v2  }
0x62: {  	[tilespmem:s26], [sflag:$0x1] =	stream.indirect_vreg.gather [hbm4b:s4+s3], $0x80, v4, vm0, $0xb8;
	[tilespmem:$0x10080] =	vst v63  }
0x63: {  	s29 =	simm.s32 $0xD080;
	v3 =	vadd.s32 v1, v3  }
0x64: {  	[tilespmem:s29], [sflag:$0x1] =	stream.indirect_vreg.gather [hbm4b:s5+s3], $0x80, v4, vm0, $0xb8;
	[tilespmem:$0x10080] =	vst v63  }
0x65: {  	s0 =	simm.s32 $0xD880  }
0x66: {  	[tilespmem:s0], [sflag:$0x1] =	stream.indirect_vreg.gather [hbm4b:s6+s3], $0x80, v4, vm0, $0xb8;
	[tilespmem:$0x10080] =	vst v63  }
0x67: {  	s16 =	simm.s32 $0xE080  }
0x68: {  	[tilespmem:s16], [sflag:$0x1] =	stream.indirect_vreg.gather [hbm4b:s1+s3], $0x80, v3, vm0, $0xb8;
	[tilespmem:$0x10080] =	vst v63  }
0x69: {  	s17 =	simm.s32 $0xE880  }
0x6a: {  	[tilespmem:s17], [sflag:$0x1] =	stream.indirect_vreg.gather [hbm4b:s4+s3], $0x80, v3, vm0, $0xb8;
	[tilespmem:$0x10080] =	vst v63  }
0x6b: {  	s24 =	simm.s32 $0xF080  }
0x6c: {  	[tilespmem:s24], [sflag:$0x1] =	stream.indirect_vreg.gather [hbm4b:s5+s3], $0x80, v3, vm0, $0xb8;
	[tilespmem:$0x10080] =	vst v63  }
0x6d: {  	s25 =	simm.s32 $0xF880  }
0x6e: {  	[tilespmem:s25], [sflag:$0x1] =	stream.indirect_vreg.gather [hbm4b:s6+s3], $0x80, v3, vm0, $0xb8;
	[tilespmem:$0x10080] =	vst v63  }
0x6f: {  	_ =	swait.ge [sflag:s18], $0x10000  }
0x70: {  	[sflag:s18] =	ssyncset.done $0x0  }
0x71: {  	s0 =	rddreg [dreg:$0x4];
	[sflag:s18] =	ssyncadd.s32 $0xFFFF0000  }
0x72: {  	[hbm4b:s0+s3] =	stream.linear.scatter [tilespmem:s23], [sflag:$0x2], $0x10000, $0x38;
	[tilespmem:$0x10080] =	vst v63  }
0x73: {  	_ =	swait.ge [sflag:s8], $0x10000  }
0x74: {  	[sflag:s8] =	ssyncset.done $0x0  }
0x75: {  	s16 =	rddreg [dreg:$0x5];
	[sflag:s8] =	ssyncadd.s32 $0xFFFF0000  }
0x76: {  	[tilespmem:s3], [sflag:$0x2] =	stream.linear.gather [hbm4b:s16+s3], $0x40, $0x38;
	[tilespmem:$0x10080] =	vst v63  }
0x77: {  	_ =	swait.ge [sflag:s8], $0x40  }
0x78: {  	[sflag:s8] =	ssyncset.done $0x0  }
0x79: {  	[sflag:s8] =	ssyncadd.s32 $0xFFFFFFC0  }
0x7a: {  	v3 =	vld [tilespmem:$0x0];
	_ =	sdelay $0x4  }
0x7b: {  	v52 =	vshll.u32 v3, $0x3  }
0x7c: {  	v3 =	vand.u32 $0x7, v3;
	v4 =	vand.u32 $0xFFFFFFC0, v52  }
0x7d: {  	v3 =	vor.u32 v3, v4  }
0x7e: {  	v4 =	vperm.xlane v3, v0;
	_ =	sdelay $0x1  }
0x7f: {  	v4 =	vadd.s32 v1, v4;
	_ =	sdelay $0x4  }
0x80: {  	[tilespmem:s23], [sflag:$0x1] =	stream.indirect_vreg.gather [hbm4b:s1+s3], $0x80, v4, vm0, $0xb8;
	[tilespmem:$0x10080] =	vst v63  }
0x81: {  	s14 =	simm.s32 $0x880;
	v3 =	vperm.xlane v3, v2  }
0x82: {  	[tilespmem:s14], [sflag:$0x1] =	stream.indirect_vreg.gather [hbm4b:s4+s3], $0x80, v4, vm0, $0xb8;
	[tilespmem:$0x10080] =	vst v63  }
0x83: {  	s2 =	simm.s32 $0x1080;
	v3 =	vadd.s32 v1, v3  }
0x84: {  	[tilespmem:s2], [sflag:$0x1] =	stream.indirect_vreg.gather [hbm4b:s5+s3], $0x80, v4, vm0, $0xb8;
	[tilespmem:$0x10080] =	vst v63  }
0x85: {  	s9 =	simm.s32 $0x1880  }
0x86: {  	[tilespmem:s9], [sflag:$0x1] =	stream.indirect_vreg.gather [hbm4b:s6+s3], $0x80, v4, vm0, $0xb8;
	[tilespmem:$0x10080] =	vst v63  }
0x87: {  	s10 =	simm.s32 $0x2080  }
0x88: {  	[tilespmem:s10], [sflag:$0x1] =	stream.indirect_vreg.gather [hbm4b:s1+s3], $0x80, v3, vm0, $0xb8;
	[tilespmem:$0x10080] =	vst v63  }
0x89: {  	s11 =	simm.s32 $0x2880  }
0x8a: {  	[tilespmem:s11], [sflag:$0x1] =	stream.indirect_vreg.gather [hbm4b:s4+s3], $0x80, v3, vm0, $0xb8;
	[tilespmem:$0x10080] =	vst v63  }
0x8b: {  	s12 =	simm.s32 $0x3080  }
0x8c: {  	[tilespmem:s12], [sflag:$0x1] =	stream.indirect_vreg.gather [hbm4b:s5+s3], $0x80, v3, vm0, $0xb8;
	[tilespmem:$0x10080] =	vst v63  }
0x8d: {  	s15 =	simm.s32 $0x3880  }
0x8e: {  	[tilespmem:s15], [sflag:$0x1] =	stream.indirect_vreg.gather [hbm4b:s6+s3], $0x80, v3, vm0, $0xb8;
	[tilespmem:$0x10080] =	vst v63  }
0x8f: {  	v3 =	vld [tilespmem:$0x10];
	_ =	sdelay $0x4  }
0x90: {  	v53 =	vshll.u32 v3, $0x3  }
0x91: {  	v3 =	vand.u32 $0x7, v3;
	v4 =	vand.u32 $0xFFFFFFC0, v53  }
0x92: {  	v3 =	vor.u32 v3, v4  }
0x93: {  	v4 =	vperm.xlane v3, v0;
	_ =	sdelay $0x1  }
0x94: {  	v4 =	vadd.s32 v1, v4;
	_ =	sdelay $0x3  }
0x95: {  	s16 =	simm.s32 $0x4080  }
0x96: {  	[tilespmem:s16], [sflag:$0x1] =	stream.indirect_vreg.gather [hbm4b:s1+s3], $0x80, v4, vm0, $0xb8;
	[tilespmem:$0x10080] =	vst v63  }
0x97: {  	s31 =	simm.s32 $0x4880;
	v3 =	vperm.xlane v3, v2  }
0x98: {  	[tilespmem:s31], [sflag:$0x1] =	stream.indirect_vreg.gather [hbm4b:s4+s3], $0x80, v4, vm0, $0xb8;
	[tilespmem:$0x10080] =	vst v63  }
0x99: {  	s13 =	simm.s32 $0x5080;
	v3 =	vadd.s32 v1, v3  }
0x9a: {  	[tilespmem:s13], [sflag:$0x1] =	stream.indirect_vreg.gather [hbm4b:s5+s3], $0x80, v4, vm0, $0xb8;
	[tilespmem:$0x10080] =	vst v63  }
0x9b: {  	s31 =	simm.s32 $0x5880  }
0x9c: {  	[tilespmem:s31], [sflag:$0x1] =	stream.indirect_vreg.gather [hbm4b:s6+s3], $0x80, v4, vm0, $0xb8;
	[tilespmem:$0x10080] =	vst v63  }
0x9d: {  	s0 =	simm.s32 $0x6080  }
0x9e: {  	[tilespmem:s0], [sflag:$0x1] =	stream.indirect_vreg.gather [hbm4b:s1+s3], $0x80, v3, vm0, $0xb8;
	[tilespmem:$0x10080] =	vst v63  }
0x9f: {  	s2 =	simm.s32 $0x6880  }
0xa0: {  	[tilespmem:s2], [sflag:$0x1] =	stream.indirect_vreg.gather [hbm4b:s4+s3], $0x80, v3, vm0, $0xb8;
	[tilespmem:$0x10080] =	vst v63  }
0xa1: {  	s9 =	simm.s32 $0x7080  }
0xa2: {  	[tilespmem:s9], [sflag:$0x1] =	stream.indirect_vreg.gather [hbm4b:s5+s3], $0x80, v3, vm0, $0xb8;
	[tilespmem:$0x10080] =	vst v63  }
0xa3: {  	s13 =	simm.s32 $0x7880  }
0xa4: {  	[tilespmem:s13], [sflag:$0x1] =	stream.indirect_vreg.gather [hbm4b:s6+s3], $0x80, v3, vm0, $0xb8;
	[tilespmem:$0x10080] =	vst v63  }
0xa5: {  	v3 =	vld [tilespmem:$0x20];
	_ =	sdelay $0x4  }
0xa6: {  	v54 =	vshll.u32 v3, $0x3  }
0xa7: {  	v3 =	vand.u32 $0x7, v3;
	v4 =	vand.u32 $0xFFFFFFC0, v54  }
0xa8: {  	v3 =	vor.u32 v3, v4  }
0xa9: {  	v4 =	vperm.xlane v3, v0;
	_ =	sdelay $0x1  }
0xaa: {  	v4 =	vadd.s32 v1, v4;
	_ =	sdelay $0x3  }
0xab: {  	s14 =	simm.s32 $0x8080  }
0xac: {  	[tilespmem:s14], [sflag:$0x1] =	stream.indirect_vreg.gather [hbm4b:s1+s3], $0x80, v4, vm0, $0xb8;
	[tilespmem:$0x10080] =	vst v63  }
0xad: {  	s15 =	simm.s32 $0x8880;
	v3 =	vperm.xlane v3, v2  }
0xae: {  	[tilespmem:s15], [sflag:$0x1] =	stream.indirect_vreg.gather [hbm4b:s4+s3], $0x80, v4, vm0, $0xb8;
	[tilespmem:$0x10080] =	vst v63  }
0xaf: {  	s10 =	simm.s32 $0x9080;
	v3 =	vadd.s32 v1, v3  }
0xb0: {  	[tilespmem:s10], [sflag:$0x1] =	stream.indirect_vreg.gather [hbm4b:s5+s3], $0x80, v4, vm0, $0xb8;
	[tilespmem:$0x10080] =	vst v63  }
0xb1: {  	s11 =	simm.s32 $0x9880  }
0xb2: {  	[tilespmem:s11], [sflag:$0x1] =	stream.indirect_vreg.gather [hbm4b:s6+s3], $0x80, v4, vm0, $0xb8;
	[tilespmem:$0x10080] =	vst v63  }
0xb3: {  	s12 =	simm.s32 $0xA080  }
0xb4: {  	[tilespmem:s12], [sflag:$0x1] =	stream.indirect_vreg.gather [hbm4b:s1+s3], $0x80, v3, vm0, $0xb8;
	[tilespmem:$0x10080] =	vst v63  }
0xb5: {  	s30 =	simm.s32 $0xA880  }
0xb6: {  	[tilespmem:s30], [sflag:$0x1] =	stream.indirect_vreg.gather [hbm4b:s4+s3], $0x80, v3, vm0, $0xb8;
	[tilespmem:$0x10080] =	vst v63  }
0xb7: {  	s28 =	simm.s32 $0xB080  }
0xb8: {  	[tilespmem:s28], [sflag:$0x1] =	stream.indirect_vreg.gather [hbm4b:s5+s3], $0x80, v3, vm0, $0xb8;
	[tilespmem:$0x10080] =	vst v63  }
0xb9: {  	s20 =	simm.s32 $0xB880  }
0xba: {  	[tilespmem:s20], [sflag:$0x1] =	stream.indirect_vreg.gather [hbm4b:s6+s3], $0x80, v3, vm0, $0xb8;
	[tilespmem:$0x10080] =	vst v63  }
0xbb: {  	v3 =	vld [tilespmem:$0x30];
	_ =	sdelay $0x4  }
0xbc: {  	v55 =	vshll.u32 v3, $0x3  }
0xbd: {  	v3 =	vand.u32 $0x7, v3;
	v4 =	vand.u32 $0xFFFFFFC0, v55  }
0xbe: {  	v3 =	vor.u32 v3, v4  }
0xbf: {  	v4 =	vperm.xlane v3, v0;
	_ =	sdelay $0x1  }
0xc0: {  	v4 =	vadd.s32 v1, v4;
	_ =	sdelay $0x3  }
0xc1: {  	s21 =	simm.s32 $0xC080  }
0xc2: {  	[tilespmem:s21], [sflag:$0x1] =	stream.indirect_vreg.gather [hbm4b:s1+s3], $0x80, v4, vm0, $0xb8;
	[tilespmem:$0x10080] =	vst v63  }
0xc3: {  	s22 =	simm.s32 $0xC880;
	v3 =	vperm.xlane v3, v2  }
0xc4: {  	[tilespmem:s22], [sflag:$0x1] =	stream.indirect_vreg.gather [hbm4b:s4+s3], $0x80, v4, vm0, $0xb8;
	[tilespmem:$0x10080] =	vst v63  }
0xc5: {  	v3 =	vadd.s32 v1, v3;
	s22 =	simm.s32 $0xD080  }
0xc6: {  	[tilespmem:s22], [sflag:$0x1] =	stream.indirect_vreg.gather [hbm4b:s5+s3], $0x80, v4, vm0, $0xb8;
	[tilespmem:$0x10080] =	vst v63  }
0xc7: {  	s26 =	simm.s32 $0xD880  }
0xc8: {  	[tilespmem:s26], [sflag:$0x1] =	stream.indirect_vreg.gather [hbm4b:s6+s3], $0x80, v4, vm0, $0xb8;
	[tilespmem:$0x10080] =	vst v63  }
0xc9: {  	s29 =	simm.s32 $0xE080  }
0xca: {  	[tilespmem:s29], [sflag:$0x1] =	stream.indirect_vreg.gather [hbm4b:s1+s3], $0x80, v3, vm0, $0xb8;
	[tilespmem:$0x10080] =	vst v63  }
0xcb: {  	s26 =	simm.s32 $0xE880  }
0xcc: {  	[tilespmem:s26], [sflag:$0x1] =	stream.indirect_vreg.gather [hbm4b:s4+s3], $0x80, v3, vm0, $0xb8;
	[tilespmem:$0x10080] =	vst v63  }
0xcd: {  	s30 =	simm.s32 $0xF080  }
0xce: {  	[tilespmem:s30], [sflag:$0x1] =	stream.indirect_vreg.gather [hbm4b:s5+s3], $0x80, v3, vm0, $0xb8;
	[tilespmem:$0x10080] =	vst v63  }
0xcf: {  	s17 =	simm.s32 $0xF880  }
0xd0: {  	[tilespmem:s17], [sflag:$0x1] =	stream.indirect_vreg.gather [hbm4b:s6+s3], $0x80, v3, vm0, $0xb8;
	[tilespmem:$0x10080] =	vst v63  }
0xd1: {  	_ =	swait.ge [sflag:s18], $0x10000  }
0xd2: {  	[sflag:s18] =	ssyncset.done $0x0  }
0xd3: {  	s21 =	rddreg [dreg:$0x6];
	[sflag:s18] =	ssyncadd.s32 $0xFFFF0000  }
0xd4: {  	[hbm4b:s21+s3] =	stream.linear.scatter [tilespmem:s23], [sflag:$0x2], $0x10000, $0x38;
	[tilespmem:$0x10080] =	vst v63  }
0xd5: {  	_ =	swait.ge [sflag:s8], $0x10000  }
0xd6: {  	[sflag:s8] =	ssyncset.done $0x0  }
0xd7: {  	s17 =	rddreg [dreg:$0x7];
	[sflag:s8] =	ssyncadd.s32 $0xFFFF0000  }
0xd8: {  	[tilespmem:s3], [sflag:$0x2] =	stream.linear.gather [hbm4b:s17+s3], $0x40, $0x38;
	[tilespmem:$0x10080] =	vst v63  }
0xd9: {  	_ =	swait.ge [sflag:s8], $0x40  }
0xda: {  	[sflag:s8] =	ssyncset.done $0x0  }
0xdb: {  	[sflag:s8] =	ssyncadd.s32 $0xFFFFFFC0  }
0xdc: {  	v3 =	vld [tilespmem:$0x0];
	_ =	sdelay $0x4  }
0xdd: {  	v56 =	vshll.u32 v3, $0x3  }
0xde: {  	v3 =	vand.u32 $0x7, v3;
	v4 =	vand.u32 $0xFFFFFFC0, v56  }
0xdf: {  	v3 =	vor.u32 v3, v4  }
0xe0: {  	v4 =	vperm.xlane v3, v0;
	_ =	sdelay $0x1  }
0xe1: {  	v4 =	vadd.s32 v1, v4;
	_ =	sdelay $0x4  }
0xe2: {  	[tilespmem:s23], [sflag:$0x1] =	stream.indirect_vreg.gather [hbm4b:s1+s3], $0x80, v4, vm0, $0xb8;
	[tilespmem:$0x10080] =	vst v63  }
0xe3: {  	s21 =	simm.s32 $0x880;
	v3 =	vperm.xlane v3, v2  }
0xe4: {  	[tilespmem:s21], [sflag:$0x1] =	stream.indirect_vreg.gather [hbm4b:s4+s3], $0x80, v4, vm0, $0xb8;
	[tilespmem:$0x10080] =	vst v63  }
0xe5: {  	s25 =	simm.s32 $0x1080;
	v3 =	vadd.s32 v1, v3  }
0xe6: {  	[tilespmem:s25], [sflag:$0x1] =	stream.indirect_vreg.gather [hbm4b:s5+s3], $0x80, v4, vm0, $0xb8;
	[tilespmem:$0x10080] =	vst v63  }
0xe7: {  	s25 =	simm.s32 $0x1880  }
0xe8: {  	[tilespmem:s25], [sflag:$0x1] =	stream.indirect_vreg.gather [hbm4b:s6+s3], $0x80, v4, vm0, $0xb8;
	[tilespmem:$0x10080] =	vst v63  }
0xe9: {  	s19 =	simm.s32 $0x2080  }
0xea: {  	[tilespmem:s19], [sflag:$0x1] =	stream.indirect_vreg.gather [hbm4b:s1+s3], $0x80, v3, vm0, $0xb8;
	[tilespmem:$0x10080] =	vst v63  }
0xeb: {  	s25 =	simm.s32 $0x2880  }
0xec: {  	[tilespmem:s25], [sflag:$0x1] =	stream.indirect_vreg.gather [hbm4b:s4+s3], $0x80, v3, vm0, $0xb8;
	[tilespmem:$0x10080] =	vst v63  }
0xed: {  	s19 =	simm.s32 $0x3080  }
0xee: {  	[tilespmem:s19], [sflag:$0x1] =	stream.indirect_vreg.gather [hbm4b:s5+s3], $0x80, v3, vm0, $0xb8;
	[tilespmem:$0x10080] =	vst v63  }
0xef: {  	s25 =	simm.s32 $0x3880  }
0xf0: {  	[tilespmem:s25], [sflag:$0x1] =	stream.indirect_vreg.gather [hbm4b:s6+s3], $0x80, v3, vm0, $0xb8;
	[tilespmem:$0x10080] =	vst v63  }
0xf1: {  	v3 =	vld [tilespmem:$0x10];
	_ =	sdelay $0x4  }
0xf2: {  	v57 =	vshll.u32 v3, $0x3  }
0xf3: {  	v3 =	vand.u32 $0x7, v3;
	v4 =	vand.u32 $0xFFFFFFC0, v57  }
0xf4: {  	v3 =	vor.u32 v3, v4  }
0xf5: {  	v4 =	vperm.xlane v3, v0;
	_ =	sdelay $0x1  }
0xf6: {  	v4 =	vadd.s32 v1, v4;
	_ =	sdelay $0x4  }
0xf7: {  	[tilespmem:s16], [sflag:$0x1] =	stream.indirect_vreg.gather [hbm4b:s1+s3], $0x80, v4, vm0, $0xb8;
	[tilespmem:$0x10080] =	vst v63  }
0xf8: {  	s19 =	simm.s32 $0x4880;
	v3 =	vperm.xlane v3, v2  }
0xf9: {  	[tilespmem:s19], [sflag:$0x1] =	stream.indirect_vreg.gather [hbm4b:s4+s3], $0x80, v4, vm0, $0xb8;
	[tilespmem:$0x10080] =	vst v63  }
0xfa: {  	s25 =	simm.s32 $0x5080;
	v3 =	vadd.s32 v1, v3  }
0xfb: {  	[tilespmem:s25], [sflag:$0x1] =	stream.indirect_vreg.gather [hbm4b:s5+s3], $0x80, v4, vm0, $0xb8;
	[tilespmem:$0x10080] =	vst v63  }
0xfc: {  	_ = 	snop  }
0xfd: {  	[tilespmem:s31], [sflag:$0x1] =	stream.indirect_vreg.gather [hbm4b:s6+s3], $0x80, v4, vm0, $0xb8;
	[tilespmem:$0x10080] =	vst v63  }
0xfe: {  	_ = 	snop  }
0xff: {  	[tilespmem:s0], [sflag:$0x1] =	stream.indirect_vreg.gather [hbm4b:s1+s3], $0x80, v3, vm0, $0xb8;
	[tilespmem:$0x10080] =	vst v63  }
0x100: {  	_ = 	snop  }
0x101: {  	[tilespmem:s2], [sflag:$0x1] =	stream.indirect_vreg.gather [hbm4b:s4+s3], $0x80, v3, vm0, $0xb8;
	[tilespmem:$0x10080] =	vst v63  }
0x102: {  	_ = 	snop  }
0x103: {  	[tilespmem:s9], [sflag:$0x1] =	stream.indirect_vreg.gather [hbm4b:s5+s3], $0x80, v3, vm0, $0xb8;
	[tilespmem:$0x10080] =	vst v63  }
0x104: {  	_ = 	snop  }
0x105: {  	[tilespmem:s13], [sflag:$0x1] =	stream.indirect_vreg.gather [hbm4b:s6+s3], $0x80, v3, vm0, $0xb8;
	[tilespmem:$0x10080] =	vst v63  }
0x106: {  	v3 =	vld [tilespmem:$0x20];
	_ =	sdelay $0x4  }
0x107: {  	v58 =	vshll.u32 v3, $0x3  }
0x108: {  	v3 =	vand.u32 $0x7, v3;
	v4 =	vand.u32 $0xFFFFFFC0, v58  }
0x109: {  	v3 =	vor.u32 v3, v4  }
0x10a: {  	v4 =	vperm.xlane v3, v0;
	_ =	sdelay $0x1  }
0x10b: {  	v4 =	vadd.s32 v1, v4;
	_ =	sdelay $0x4  }
0x10c: {  	[tilespmem:s14], [sflag:$0x1] =	stream.indirect_vreg.gather [hbm4b:s1+s3], $0x80, v4, vm0, $0xb8;
	[tilespmem:$0x10080] =	vst v63  }
0x10d: {  	v3 =	vperm.xlane v3, v2  }
0x10e: {  	[tilespmem:s15], [sflag:$0x1] =	stream.indirect_vreg.gather [hbm4b:s4+s3], $0x80, v4, vm0, $0xb8;
	[tilespmem:$0x10080] =	vst v63  }
0x10f: {  	v3 =	vadd.s32 v1, v3  }
0x110: {  	[tilespmem:s10], [sflag:$0x1] =	stream.indirect_vreg.gather [hbm4b:s5+s3], $0x80, v4, vm0, $0xb8;
	[tilespmem:$0x10080] =	vst v63  }
0x111: {  	_ = 	snop  }
0x112: {  	[tilespmem:s11], [sflag:$0x1] =	stream.indirect_vreg.gather [hbm4b:s6+s3], $0x80, v4, vm0, $0xb8;
	[tilespmem:$0x10080] =	vst v63  }
0x113: {  	_ = 	snop  }
0x114: {  	[tilespmem:s12], [sflag:$0x1] =	stream.indirect_vreg.gather [hbm4b:s1+s3], $0x80, v3, vm0, $0xb8;
	[tilespmem:$0x10080] =	vst v63  }
0x115: {  	s24 =	simm.s32 $0xA880  }
0x116: {  	[tilespmem:s24], [sflag:$0x1] =	stream.indirect_vreg.gather [hbm4b:s4+s3], $0x80, v3, vm0, $0xb8;
	[tilespmem:$0x10080] =	vst v63  }
0x117: {  	s28 =	simm.s32 $0xB080  }
0x118: {  	[tilespmem:s28], [sflag:$0x1] =	stream.indirect_vreg.gather [hbm4b:s5+s3], $0x80, v3, vm0, $0xb8;
	[tilespmem:$0x10080] =	vst v63  }
0x119: {  	s28 =	simm.s32 $0xB880  }
0x11a: {  	[tilespmem:s28], [sflag:$0x1] =	stream.indirect_vreg.gather [hbm4b:s6+s3], $0x80, v3, vm0, $0xb8;
	[tilespmem:$0x10080] =	vst v63  }
0x11b: {  	v3 =	vld [tilespmem:$0x30];
	_ =	sdelay $0x4  }
0x11c: {  	v59 =	vshll.u32 v3, $0x3  }
0x11d: {  	v3 =	vand.u32 $0x7, v3;
	v4 =	vand.u32 $0xFFFFFFC0, v59  }
0x11e: {  	v3 =	vor.u32 v3, v4  }
0x11f: {  	v4 =	vperm.xlane v3, v0;
	_ =	sdelay $0x1  }
0x120: {  	v4 =	vadd.s32 v1, v4;
	_ =	sdelay $0x3  }
0x121: {  	s24 =	simm.s32 $0xC080  }
0x122: {  	[tilespmem:s24], [sflag:$0x1] =	stream.indirect_vreg.gather [hbm4b:s1+s3], $0x80, v4, vm0, $0xb8;
	[tilespmem:$0x10080] =	vst v63  }
0x123: {  	s25 =	simm.s32 $0xC880;
	v3 =	vperm.xlane v3, v2  }
0x124: {  	[tilespmem:s25], [sflag:$0x1] =	stream.indirect_vreg.gather [hbm4b:s4+s3], $0x80, v4, vm0, $0xb8;
	[tilespmem:$0x10080] =	vst v63  }
0x125: {  	s20 =	simm.s32 $0xD080;
	v3 =	vadd.s32 v1, v3  }
0x126: {  	[tilespmem:s20], [sflag:$0x1] =	stream.indirect_vreg.gather [hbm4b:s5+s3], $0x80, v4, vm0, $0xb8;
	[tilespmem:$0x10080] =	vst v63  }
0x127: {  	s22 =	simm.s32 $0xD880  }
0x128: {  	[tilespmem:s22], [sflag:$0x1] =	stream.indirect_vreg.gather [hbm4b:s6+s3], $0x80, v4, vm0, $0xb8;
	[tilespmem:$0x10080] =	vst v63  }
0x129: {  	s29 =	simm.s32 $0xE080  }
0x12a: {  	[tilespmem:s29], [sflag:$0x1] =	stream.indirect_vreg.gather [hbm4b:s1+s3], $0x80, v3, vm0, $0xb8;
	[tilespmem:$0x10080] =	vst v63  }
0x12b: {  	s26 =	simm.s32 $0xE880  }
0x12c: {  	[tilespmem:s26], [sflag:$0x1] =	stream.indirect_vreg.gather [hbm4b:s4+s3], $0x80, v3, vm0, $0xb8;
	[tilespmem:$0x10080] =	vst v63  }
0x12d: {  	s30 =	simm.s32 $0xF080  }
0x12e: {  	[tilespmem:s30], [sflag:$0x1] =	stream.indirect_vreg.gather [hbm4b:s5+s3], $0x80, v3, vm0, $0xb8;
	[tilespmem:$0x10080] =	vst v63  }
0x12f: {  	s26 =	simm.s32 $0xF880  }
0x130: {  	[tilespmem:s26], [sflag:$0x1] =	stream.indirect_vreg.gather [hbm4b:s6+s3], $0x80, v3, vm0, $0xb8;
	[tilespmem:$0x10080] =	vst v63  }
0x131: {  	_ =	swait.ge [sflag:s18], $0x10000  }
0x132: {  	[sflag:s18] =	ssyncset.done $0x0  }
0x133: {  	s29 =	rddreg [dreg:$0x8];
	[sflag:s18] =	ssyncadd.s32 $0xFFFF0000  }
0x134: {  	[hbm4b:s29+s3] =	stream.linear.scatter [tilespmem:s23], [sflag:$0x2], $0x10000, $0x38;
	[tilespmem:$0x10080] =	vst v63  }
0x135: {  	_ =	swait.ge [sflag:s8], $0x10000  }
0x136: {  	[sflag:s8] =	ssyncset.done $0x0  }
0x137: {  	s30 =	rddreg [dreg:$0x9];
	[sflag:s8] =	ssyncadd.s32 $0xFFFF0000  }
0x138: {  	[tilespmem:s3], [sflag:$0x2] =	stream.linear.gather [hbm4b:s30+s3], $0x40, $0x38;
	[tilespmem:$0x10080] =	vst v63  }
0x139: {  	_ =	swait.ge [sflag:s8], $0x40  }
0x13a: {  	[sflag:s8] =	ssyncset.done $0x0  }
0x13b: {  	[sflag:s8] =	ssyncadd.s32 $0xFFFFFFC0  }
0x13c: {  	v3 =	vld [tilespmem:$0x0];
	_ =	sdelay $0x4  }
0x13d: {  	v60 =	vshll.u32 v3, $0x3  }
0x13e: {  	v3 =	vand.u32 $0x7, v3;
	v4 =	vand.u32 $0xFFFFFFC0, v60  }
0x13f: {  	v3 =	vor.u32 v3, v4  }
0x140: {  	v4 =	vperm.xlane v3, v0;
	_ =	sdelay $0x1  }
0x141: {  	v4 =	vadd.s32 v1, v4;
	_ =	sdelay $0x4  }
0x142: {  	[tilespmem:s23], [sflag:$0x1] =	stream.indirect_vreg.gather [hbm4b:s1+s3], $0x80, v4, vm0, $0xb8;
	[tilespmem:$0x10080] =	vst v63  }
0x143: {  	s29 =	simm.s32 $0x880;
	v3 =	vperm.xlane v3, v2  }
0x144: {  	[tilespmem:s29], [sflag:$0x1] =	stream.indirect_vreg.gather [hbm4b:s4+s3], $0x80, v4, vm0, $0xb8;
	[tilespmem:$0x10080] =	vst v63  }
0x145: {  	s21 =	simm.s32 $0x1080;
	v3 =	vadd.s32 v1, v3  }
0x146: {  	[tilespmem:s21], [sflag:$0x1] =	stream.indirect_vreg.gather [hbm4b:s5+s3], $0x80, v4, vm0, $0xb8;
	[tilespmem:$0x10080] =	vst v63  }
0x147: {  	s30 =	simm.s32 $0x1880  }
0x148: {  	[tilespmem:s30], [sflag:$0x1] =	stream.indirect_vreg.gather [hbm4b:s6+s3], $0x80, v4, vm0, $0xb8;
	[tilespmem:$0x10080] =	vst v63  }
0x149: {  	s21 =	simm.s32 $0x2080  }
0x14a: {  	[tilespmem:s21], [sflag:$0x1] =	stream.indirect_vreg.gather [hbm4b:s1+s3], $0x80, v3, vm0, $0xb8;
	[tilespmem:$0x10080] =	vst v63  }
0x14b: {  	s29 =	simm.s32 $0x2880  }
0x14c: {  	[tilespmem:s29], [sflag:$0x1] =	stream.indirect_vreg.gather [hbm4b:s4+s3], $0x80, v3, vm0, $0xb8;
	[tilespmem:$0x10080] =	vst v63  }
0x14d: {  	s30 =	simm.s32 $0x3080  }
0x14e: {  	[tilespmem:s30], [sflag:$0x1] =	stream.indirect_vreg.gather [hbm4b:s5+s3], $0x80, v3, vm0, $0xb8;
	[tilespmem:$0x10080] =	vst v63  }
0x14f: {  	s21 =	simm.s32 $0x3880  }
0x150: {  	[tilespmem:s21], [sflag:$0x1] =	stream.indirect_vreg.gather [hbm4b:s6+s3], $0x80, v3, vm0, $0xb8;
	[tilespmem:$0x10080] =	vst v63  }
0x151: {  	v3 =	vld [tilespmem:$0x10];
	_ =	sdelay $0x4  }
0x152: {  	v61 =	vshll.u32 v3, $0x3  }
0x153: {  	v3 =	vand.u32 $0x7, v3;
	v4 =	vand.u32 $0xFFFFFFC0, v61  }
0x154: {  	v3 =	vor.u32 v3, v4  }
0x155: {  	v4 =	vperm.xlane v3, v0;
	_ =	sdelay $0x1  }
0x156: {  	v4 =	vadd.s32 v1, v4;
	_ =	sdelay $0x3  }
0x157: {  	s16 =	simm.s32 $0x4080  }
0x158: {  	[tilespmem:s16], [sflag:$0x1] =	stream.indirect_vreg.gather [hbm4b:s1+s3], $0x80, v4, vm0, $0xb8;
	[tilespmem:$0x10080] =	vst v63  }
0x159: {  	s29 =	simm.s32 $0x4880;
	v3 =	vperm.xlane v3, v2  }
0x15a: {  	[tilespmem:s29], [sflag:$0x1] =	stream.indirect_vreg.gather [hbm4b:s4+s3], $0x80, v4, vm0, $0xb8;
	[tilespmem:$0x10080] =	vst v63  }
0x15b: {  	s30 =	simm.s32 $0x5080;
	v3 =	vadd.s32 v1, v3  }
0x15c: {  	[tilespmem:s30], [sflag:$0x1] =	stream.indirect_vreg.gather [hbm4b:s5+s3], $0x80, v4, vm0, $0xb8;
	[tilespmem:$0x10080] =	vst v63  }
0x15d: {  	s17 =	simm.s32 $0x5880  }
0x15e: {  	[tilespmem:s17], [sflag:$0x1] =	stream.indirect_vreg.gather [hbm4b:s6+s3], $0x80, v4, vm0, $0xb8;
	[tilespmem:$0x10080] =	vst v63  }
0x15f: {  	s0 =	simm.s32 $0x6080  }
0x160: {  	[tilespmem:s0], [sflag:$0x1] =	stream.indirect_vreg.gather [hbm4b:s1+s3], $0x80, v3, vm0, $0xb8;
	[tilespmem:$0x10080] =	vst v63  }
0x161: {  	s2 =	simm.s32 $0x6880  }
0x162: {  	[tilespmem:s2], [sflag:$0x1] =	stream.indirect_vreg.gather [hbm4b:s4+s3], $0x80, v3, vm0, $0xb8;
	[tilespmem:$0x10080] =	vst v63  }
0x163: {  	s9 =	simm.s32 $0x7080  }
0x164: {  	[tilespmem:s9], [sflag:$0x1] =	stream.indirect_vreg.gather [hbm4b:s5+s3], $0x80, v3, vm0, $0xb8;
	[tilespmem:$0x10080] =	vst v63  }
0x165: {  	s13 =	simm.s32 $0x7880  }
0x166: {  	[tilespmem:s13], [sflag:$0x1] =	stream.indirect_vreg.gather [hbm4b:s6+s3], $0x80, v3, vm0, $0xb8;
	[tilespmem:$0x10080] =	vst v63  }
0x167: {  	v3 =	vld [tilespmem:$0x20];
	_ =	sdelay $0x4  }
0x168: {  	v62 =	vshll.u32 v3, $0x3  }
0x169: {  	v3 =	vand.u32 $0x7, v3;
	v4 =	vand.u32 $0xFFFFFFC0, v62  }
0x16a: {  	v3 =	vor.u32 v3, v4  }
0x16b: {  	v4 =	vperm.xlane v3, v0;
	_ =	sdelay $0x1  }
0x16c: {  	v4 =	vadd.s32 v1, v4;
	_ =	sdelay $0x3  }
0x16d: {  	s14 =	simm.s32 $0x8080  }
0x16e: {  	[tilespmem:s14], [sflag:$0x1] =	stream.indirect_vreg.gather [hbm4b:s1+s3], $0x80, v4, vm0, $0xb8;
	[tilespmem:$0x10080] =	vst v63  }
0x16f: {  	s15 =	simm.s32 $0x8880;
	v3 =	vperm.xlane v3, v2  }
0x170: {  	[tilespmem:s15], [sflag:$0x1] =	stream.indirect_vreg.gather [hbm4b:s4+s3], $0x80, v4, vm0, $0xb8;
	[tilespmem:$0x10080] =	vst v63  }
0x171: {  	s10 =	simm.s32 $0x9080;
	v3 =	vadd.s32 v1, v3  }
0x172: {  	[tilespmem:s10], [sflag:$0x1] =	stream.indirect_vreg.gather [hbm4b:s5+s3], $0x80, v4, vm0, $0xb8;
	[tilespmem:$0x10080] =	vst v63  }
0x173: {  	s11 =	simm.s32 $0x9880  }
0x174: {  	[tilespmem:s11], [sflag:$0x1] =	stream.indirect_vreg.gather [hbm4b:s6+s3], $0x80, v4, vm0, $0xb8;
	[tilespmem:$0x10080] =	vst v63  }
0x175: {  	s12 =	simm.s32 $0xA080  }
0x176: {  	[tilespmem:s12], [sflag:$0x1] =	stream.indirect_vreg.gather [hbm4b:s1+s3], $0x80, v3, vm0, $0xb8;
	[tilespmem:$0x10080] =	vst v63  }
0x177: {  	s31 =	simm.s32 $0xA880  }
0x178: {  	[tilespmem:s31], [sflag:$0x1] =	stream.indirect_vreg.gather [hbm4b:s4+s3], $0x80, v3, vm0, $0xb8;
	[tilespmem:$0x10080] =	vst v63  }
0x179: {  	s19 =	simm.s32 $0xB080  }
0x17a: {  	[tilespmem:s19], [sflag:$0x1] =	stream.indirect_vreg.gather [hbm4b:s5+s3], $0x80, v3, vm0, $0xb8;
	[tilespmem:$0x10080] =	vst v63  }
0x17b: {  	s21 =	simm.s32 $0xB880  }
0x17c: {  	[tilespmem:s21], [sflag:$0x1] =	stream.indirect_vreg.gather [hbm4b:s6+s3], $0x80, v3, vm0, $0xb8;
	[tilespmem:$0x10080] =	vst v63  }
0x17d: {  	v3 =	vld [tilespmem:$0x30];
	_ =	sdelay $0x4  }
0x17e: {  	v63 =	vshll.u32 v3, $0x3  }
0x17f: {  	v3 =	vand.u32 $0x7, v3;
	v4 =	vand.u32 $0xFFFFFFC0, v63  }
0x180: {  	v3 =	vor.u32 v3, v4  }
0x181: {  	v4 =	vperm.xlane v3, v0;
	_ =	sdelay $0x1  }
0x182: {  	v4 =	vadd.s32 v1, v4;
	_ =	sdelay $0x3  }
0x183: {  	s29 =	simm.s32 $0xC080  }
0x184: {  	[tilespmem:s29], [sflag:$0x1] =	stream.indirect_vreg.gather [hbm4b:s1+s3], $0x80, v4, vm0, $0xb8;
	[tilespmem:$0x10080] =	vst v63  }
0x185: {  	s30 =	simm.s32 $0xC880;
	v3 =	vperm.xlane v3, v2  }
0x186: {  	[tilespmem:s30], [sflag:$0x1] =	stream.indirect_vreg.gather [hbm4b:s4+s3], $0x80, v4, vm0, $0xb8;
	[tilespmem:$0x10080] =	vst v63  }
0x187: {  	s28 =	simm.s32 $0xD080;
	v3 =	vadd.s32 v1, v3  }
0x188: {  	[tilespmem:s28], [sflag:$0x1] =	stream.indirect_vreg.gather [hbm4b:s5+s3], $0x80, v4, vm0, $0xb8;
	[tilespmem:$0x10080] =	vst v63  }
0x189: {  	s20 =	simm.s32 $0xD880  }
0x18a: {  	[tilespmem:s20], [sflag:$0x1] =	stream.indirect_vreg.gather [hbm4b:s6+s3], $0x80, v4, vm0, $0xb8;
	[tilespmem:$0x10080] =	vst v63  }
0x18b: {  	s24 =	simm.s32 $0xE080  }
0x18c: {  	[tilespmem:s24], [sflag:$0x1] =	stream.indirect_vreg.gather [hbm4b:s1+s3], $0x80, v3, vm0, $0xb8;
	[tilespmem:$0x10080] =	vst v63  }
0x18d: {  	s22 =	simm.s32 $0xE880  }
0x18e: {  	[tilespmem:s22], [sflag:$0x1] =	stream.indirect_vreg.gather [hbm4b:s4+s3], $0x80, v3, vm0, $0xb8;
	[tilespmem:$0x10080] =	vst v63  }
0x18f: {  	s25 =	simm.s32 $0xF080  }
0x190: {  	[tilespmem:s25], [sflag:$0x1] =	stream.indirect_vreg.gather [hbm4b:s5+s3], $0x80, v3, vm0, $0xb8;
	[tilespmem:$0x10080] =	vst v63  }
0x191: {  	s26 =	simm.s32 $0xF880  }
0x192: {  	[tilespmem:s26], [sflag:$0x1] =	stream.indirect_vreg.gather [hbm4b:s6+s3], $0x80, v3, vm0, $0xb8;
	[tilespmem:$0x10080] =	vst v63  }
0x193: {  	_ =	swait.ge [sflag:s18], $0x10000  }
0x194: {  	p0 =	sne.s32 s7, $0x1;
	[sflag:s18] =	ssyncset.done $0x0  }
.Ltmp0:
0x195: {  	s31 =	rddreg [dreg:$0xa];
	[sflag:s18] =	ssyncadd.s32 $0xFFFF0000;
	(pc) =	sbr.rel @p0 .LBB2_1-.Ltmp0, $4  }
0x196: {  	[hbm4b:s31+s3] =	stream.linear.scatter [tilespmem:s23], [sflag:$0x2], $0x10000, $0x38;
	[tilespmem:$0x10080] =	vst v63  }
0x197: {  	_ =	swait.ge [sflag:s8], $0x10000  }
0x198: {  	[sflag:s8] =	ssyncset.done $0x0  }
0x199: {  	s7 =	sadd.s32 $0xFFFFFFFF, s7;
	[sflag:s8] =	ssyncadd.s32 $0xFFFF0000  }
0x19a: {  	_ =	sfence.sel $0x180000  }
0x19b: {  	[bflag:$0x0] =	sbarrier.arrive $0xFFFF  }
0x19c: {  	_ =	strace $0x9000004D  }
0x19d: {  	s0 =	stileid.u32;
	[bflag:$0x2] =	sbarrier.arrive $0xFFFF  }
0x19e: {  	p0 =	sne.s32 s0, $0x0;
	s0 =	rddreg [dreg:$0x2]  }
0x19f: {  	s0 =	sadd.s32 @!p0 $0x100000, s0  }
0x1a0: {  	[sflag:s0] =	ssyncadd.tile.s32 @!p0 $0x1;
	_ =	shalt  }
.Lfunc_end2:
_tile_overlayer_lowered:
.L_overlay_start_2:
0x1a1: {  	(tag) =	ssettag $0x2  }
0x1a2: {  	s0 =	rddreg [dreg:$0x0];
	s2 =	stileid.u32  }
0x1a3: {  	s1 =	rddreg [dreg:$0x1];
	p0 =	sne.s32 s2, $0x0  }
0x1a4: {  	s3 =	rddreg [dreg:$0x2];
	[bflag:$0x3] =	sbarrier.arrive $0xFFFF;
	s2 =	simm.s32 @!p0 $0x1C02  }
0x1a5: {  	[timem:s3], [sflag:s2] =	dma.local @!p0 [hbm:s0], s1  }
0x1a6: {  	s0 =	simm.s32 @!p0 $0x2  }
0x1a7: {  	_ =	swait.ge @!p0 [sflag:s0], s1  }
0x1a8: {  	s1 =	ssub.s32 @!p0 $0x0, s1;
	[sflag:s0] =	ssyncset.done @!p0 $0x0  }
0x1a9: {  	[sflag:s0] =	ssyncadd.s32 @!p0 s1  }
0x1aa: {  	[bflag:$0x3] =	sbarrier.arrive $0xFFFF  }
0x1ab: {  	_ =	shalt  }

// kernel: scatter_offload_async_start
scs
__scs_entry_jumppad:
0x0: {  	(pc) =	sbr.rel $0x88, $3  }
0x1: {  	(tag) =	ssettag $0x0;
	lr =	simm.s32 $0x1  }
0x2: {  	[smem:$0x3F9B] =	sst lr;
	_ =	strace $0xD0000000  }
0x3: {  	_ = 	snop  }
0x4: {  	_ = 	snop  }
0x5: {  	_ = 	snop  }
0x6: {  	_ = 	snop  }
0x7: {  	_ = 	snop  }
__scs_overlays_trampoline_lowered:
0x8: {  	[smem:$0x3FAA] =	sst s0  }
0x9: {  	[smem:$0x3FAB] =	sst s1  }
0xa: {  	[smem:$0x3FAC] =	sst s2  }
0xb: {  	[smem:$0x3FAD] =	sst s3  }
0xc: {  	[smem:$0x3FAE] =	sst s4  }
0xd: {  	[smem:$0x3FAF] =	sst s5  }
0xe: {  	[smem:$0x3FB0] =	sst s6  }
0xf: {  	[smem:$0x3FB1] =	sst s7  }
0x10: {  	[smem:$0x3FB2] =	sst s8  }
0x11: {  	[smem:$0x3FB3] =	sst s9;
	s0 =	simm.s32 @!p0 $0x0  }
0x12: {  	s1 =	sld [smem:$0x3F99];
	s0 =	simm.s32 @p0 $0x1  }
0x13: {  	[smem:$0x3FB4] =	sst s0;
	s0 =	simm.s32 @!p1 $0x0  }
0x14: {  	s2 =	sld [smem:$0x3F98];
	s0 =	simm.s32 @p1 $0x1  }
0x15: {  	[smem:$0x3FB5] =	sst s0;
	s0 =	simm.s32 @!p2 $0x0  }
0x16: {  	s3 =	sld [smem:$0x3FDB];
	s0 =	simm.s32 @p2 $0x1  }
0x17: {  	s4 =	simm.s32 $0x1BF5;
	[smem:$0x3FB7] =	sst s0  }
0x18: {  	s0 =	sld [smem:$0x3F9A];
	_ =	swait.ge [sflag:s4], $0x0  }
0x19: {  	s7 =	sld [smem:$0x3F9B]  }
0x1a: {  	s8 =	sadd.s32 $0xFFFFE003, lr  }
0x1b: {  	s9 =	sadd.s32 $0xFFFFFEF7, lr;
	s5 =	simm.s32 $0xFFFFFFFF;
	p2 =	slt.u32 s8, $0xFFFFF086  }
0x1c: {  	p1 =	slt.u32 s9, $0xF7A;
	s5 =	simm.s32 @!p2 $0x0  }
0x1d: {  	s5 =	simm.s32 @p1 $0x1;
	p0 =	seq.s32 s7, s2  }
0x1e: {  	s7 =	smul.u32 @!p0 $0xF7A, s2;
	p2 =	seq.s32 @!p0 s5, $0x0  }
0x1f: {  	s9 =	smul.u32 $0xF7A, s1;
	s8 =	simm.s32 @!p0 $0x1BF5;
	p2 =	por !p2, p0  }
0x20: {  	[sflag:s8] =	ssyncset.s32 @!p0 $0xFFFFF086;
	s6 =	sadd.s32 @!p0 s3, s7;
	s7 =	simm.s32 @!p0 $0x108  }
0x21: {  	s3 =	sadd.s32 s3, s9;
	s6 =	sadd.s32 @!p0 $0x88, s6;
	s7 =	simm.s32 @p2 $0x1082  }
0x22: {  	[simem:s7], [sflag:s8] =	dma.local @!p0 [hbm:s6], $0xF7A  }
0x23: {  	s9 =	sor.u32 $0xD0000000, s2;
	s6 =	simm.s32 $0x108;
	_ =	swait.ge @!p0 [sflag:s8], $0x0  }
0x24: {  	s3 =	sadd.s32 $0x88, s3;
	s6 =	simm.s32 @!p1 $0x1082;
	[sflag:s4] =	ssyncset.s32 $0xFFFFF086  }
0x25: {  	[simem:s6], [sflag:s4] =	dma.local [hbm:s3], $0xF7A  }
0x26: {  	[smem:$0x3F9B] =	sst s1;
	(tag) =	ssettag s2;
	_ =	strace s9  }
0x27: {  	s1 =	sld [smem:$0x3FAB]  }
0x28: {  	s2 =	sld [smem:$0x3FAC]  }
0x29: {  	s4 =	sld [smem:$0x3FAE]  }
0x2a: {  	p0 =	seq.s32 s5, $0x0;
	s5 =	sld [smem:$0x3FAF]  }
0x2b: {  	s6 =	sld [smem:$0x3FB0]  }
0x2c: {  	s7 =	sld [smem:$0x3FB1]  }
0x2d: {  	s3 =	simm.s32 $0x108;
	s8 =	sld [smem:$0x3FB2]  }
0x2e: {  	s3 =	simm.s32 @!p0 $0x1082;
	s9 =	sld [smem:$0x3FB3]  }
0x2f: {  	lr =	sadd.s32 s0, s3;
	s0 =	sld [smem:$0x3FAA]  }
0x30: {  	s3 =	sld [smem:$0x3FAD]  }
0x31: {  	[smem:$0x3FB6] =	sst s10  }
0x32: {  	s10 =	sld [smem:$0x3FB4];
	_ =	sdelay $0x3  }
0x33: {  	p0 =	seq.s32 s10, $0x1;
	s10 =	sld [smem:$0x3FB6];
	_ =	sdelay $0x3  }
0x34: {  	[smem:$0x3FB6] =	sst s10  }
0x35: {  	s10 =	sld [smem:$0x3FB5];
	_ =	sdelay $0x3  }
0x36: {  	p1 =	seq.s32 s10, $0x1;
	s10 =	sld [smem:$0x3FB6];
	_ =	sdelay $0x3  }
0x37: {  	[smem:$0x3FB6] =	sst s10  }
0x38: {  	s10 =	sld [smem:$0x3FB7]  }
0x39: {  	_ = 	snop;
	(pc) =	sbr.ind lr, $3  }
0x3a: {  	_ = 	snop  }
0x3b: {  	_ = 	snop  }
0x3c: {  	p2 =	seq.s32 s10, $0x1;
	s10 =	sld [smem:$0x3FB6]  }
0x3d: {  	_ =	shalt  }
0x3e: {  	_ =	shalt  }
0x3f: {  	_ =	shalt  }
0x40: {  	_ =	shalt  }
0x41: {  	_ =	shalt  }
0x42: {  	_ =	shalt  }
0x43: {  	_ =	shalt  }
0x44: {  	_ =	shalt  }
0x45: {  	_ =	shalt  }
0x46: {  	_ =	shalt  }
0x47: {  	_ =	shalt  }
0x48: {  	_ =	shalt  }
0x49: {  	_ =	shalt  }
0x4a: {  	_ =	shalt  }
0x4b: {  	_ =	shalt  }
0x4c: {  	_ =	shalt  }
0x4d: {  	_ =	shalt  }
0x4e: {  	_ =	shalt  }
0x4f: {  	_ =	shalt  }
0x50: {  	_ =	shalt  }
0x51: {  	_ =	shalt  }
0x52: {  	_ =	shalt  }
0x53: {  	_ =	shalt  }
0x54: {  	_ =	shalt  }
0x55: {  	_ =	shalt  }
0x56: {  	_ =	shalt  }
0x57: {  	_ =	shalt  }
0x58: {  	_ =	shalt  }
0x59: {  	_ =	shalt  }
0x5a: {  	_ =	shalt  }
0x5b: {  	_ =	shalt  }
0x5c: {  	_ =	shalt  }
0x5d: {  	_ =	shalt  }
0x5e: {  	_ =	shalt  }
0x5f: {  	_ =	shalt  }
0x60: {  	_ =	shalt  }
0x61: {  	_ =	shalt  }
0x62: {  	_ =	shalt  }
0x63: {  	_ =	shalt  }
0x64: {  	_ =	shalt  }
0x65: {  	_ =	shalt  }
0x66: {  	_ =	shalt  }
0x67: {  	_ =	shalt  }
0x68: {  	_ =	shalt  }
0x69: {  	_ =	shalt  }
0x6a: {  	_ =	shalt  }
0x6b: {  	_ =	shalt  }
0x6c: {  	_ =	shalt  }
0x6d: {  	_ =	shalt  }
0x6e: {  	_ =	shalt  }
0x6f: {  	_ =	shalt  }
0x70: {  	_ =	shalt  }
0x71: {  	_ =	shalt  }
0x72: {  	_ =	shalt  }
0x73: {  	_ =	shalt  }
0x74: {  	_ =	shalt  }
0x75: {  	_ =	shalt  }
0x76: {  	_ =	shalt  }
0x77: {  	_ =	shalt  }
0x78: {  	_ =	shalt  }
0x79: {  	_ =	shalt  }
0x7a: {  	_ =	shalt  }
0x7b: {  	_ =	shalt  }
0x7c: {  	_ =	shalt  }
0x7d: {  	_ =	shalt  }
0x7e: {  	_ =	shalt  }
0x7f: {  	_ =	shalt  }
0x80: {  	_ =	shalt  }
0x81: {  	_ =	shalt  }
0x82: {  	_ =	shalt  }
0x83: {  	_ =	shalt  }
0x84: {  	_ =	shalt  }
0x85: {  	_ =	shalt  }
0x86: {  	_ =	shalt  }
0x87: {  	_ =	shalt  }
.Lfunc_end0:
.L_simem_size_0:
called_computation_lowered:
.L_overlay_start_0:
0x88: {  	s0 =	sld [smem:$0x3FD9]  }
0x89: {  	s1 =	sld [smem:$0x3FFE];
	_ =	sdelay $0x3  }
0x8a: {  	s0 =	sadd.s32 s1, s0  }
0x8b: {  	[smem:$0x3FC2] =	sst s0  }
0x8c: {  	_ = 	snop  }
0x8d: {  	s0 =	sld [smem:$0x3FD0];
	(tm) =	ssettm $0x1  }
0x8e: {  	s16 =	sld [smem:$0x3FFB];
	_ =	sdelay $0x3  }
0x8f: {  	_ =	strace s16  }
0x90: {  	s1 =	sld [smem:$0x3FFC];
	_ =	sdelay $0x3  }
0x91: {  	_ =	strace s1  }
0x92: {  	s1 =	sld [smem:$0x3FFD];
	_ =	sdelay $0x3  }
0x93: {  	_ =	strace s1  }
0x94: {  	_ =	strace $0x8FFFFFFF  }
0x95: {  	s17 =	sld [smem:$0x3FDB];
	_ =	sdelay $0x1  }
0x96: {  	s2 =	simm.s32 $_scs_section_size  }
0x97: {  	s3 =	simm.s32 $_size__tile_overlayer_lowered;
	s4 =	simm.s32 $_tile_overlayer_lowered  }
0x98: {  	s20 =	simm.s32 $0x1BFF;
	s19 =	sshll.u32 s4, $0x1;
	s1 =	sadd.s32 s2, s17  }
0x99: {  	s5 =	simm.s32 $0x0;
	s18 =	sshll.u32 s3, $0x1;
	s3 =	sadd.s32 s19, s1  }
0x9a: {  	[timem:s5], [sflag:s20] =	dma.local [hbm:s3], s18  }
0x9b: {  	_ =	swait.ge [sflag:s20], s18  }
0x9c: {  	s2 =	ssub.s32 $0x0, s18;
	[sflag:s20] =	ssyncset.done $0x0  }
0x9d: {  	[sflag:s20] =	ssyncadd.s32 s2;
	_ =	sdelay $0x1  }
0x9e: {  	s21 =	simm.s32 $0x1B8B  }
0x9f: {  	_ =	swait.ge [sflag:s21], $0x1  }
0xa0: {  	[sflag:s21] =	ssyncset.done $0x0  }
0xa1: {  	s23 =	simm.s32 $0x1B8E;
	s22 =	sld [smem:$0x3FFE];
	[sflag:s21] =	ssyncadd.s32 $0xFFFFFFFF  }
0xa2: {  	s24 =	simm.s32 $execute0_lowered;
	[smem:$0x3FD2] =	sst s23  }
0xa3: {  	s3 =	sshll.u32 s24, $0x1;
	_ =	strace $0x80000049;
	[dreg:$0x1] =	wrdreg $0xFFFFFFFF  }
0xa4: {  	s25 =	simm.s32 $_size_execute0_lowered;
	s1 =	sadd.s32 s1, s3;
	[dreg:$0x0] =	wrdreg $0x0  }
0xa5: {  	s3 =	sshll.u32 s25, $0x1;
	[dreg:$0x2] =	wrdreg s1  }
0xa6: {  	[dreg:$0x3] =	wrdreg s3  }
0xa7: {  	[dreg:$0x4] =	wrdreg $0xC0  }
0xa8: {  	_ =	task [dreg:s5], $0x5FFFF  }
0xa9: {  	[dreg:$0x1] =	wrdreg $0xFFFFFFFF  }
0xaa: {  	[dreg:$0x0] =	wrdreg $0x60  }
0xab: {  	[dreg:$0x2] =	wrdreg s22  }
0xac: {  	[dreg:$0x3] =	wrdreg s0  }
0xad: {  	[dreg:$0x4] =	wrdreg $0x9  }
0xae: {  	_ =	task.clear_ibuf [dreg:s5], $0x5FFFF;
	_ =	strace $0x90000049  }
0xaf: {  	s26 =	simm.s32 $0x9;
	_ =	strace $0x8000004B  }
0xb0: {  	_ =	swait.ge [sflag:s26], $0x1  }
0xb1: {  	[sflag:s26] =	ssyncadd.s32 $0xFFFFFFFF  }
0xb2: {  	_ =	strace $0x9000004B  }
0xb3: {  	_ =	sfence  }
0xb4: {  	s28 =	sld [smem:$0x0];
	_ =	sdelay $0x1  }
0xb5: {  	s29 =	srdreg.scid  }
0xb6: {  	s30 =	sshll.u32 s29, $0xD;
	s31 =	sshrl.u32 s29, $0x2  }
0xb7: {  	s2 =	sand.u32 $0x4000, s30;
	s1 =	sand.u32 $0x1, s29;
	s0 =	sadd.s32 s31, s28  }
0xb8: {  	s1 =	sor.u32 s2, s1;
	s0 =	sshll.u32 s0, $0x11  }
0xb9: {  	s0 =	sor.u32 s0, s1  }
0xba: {  	s0 =	sadd.s32 $0x8F2B, s0  }
0xbb: {  	[sflag:s0] =	ssyncadd.remote.s32 $0x1  }
0xbc: {  	_ =	sfence.sel $0xFFFF  }
0xbd: {  	[dreg:$0x0] =	wrdreg $0xFFFFFFFF;
	(pc) =	sbr.abs _section_cstart, $3  }
0xbe: {  	[dreg:$0x1] =	wrdreg $0xFFFFFFFF  }
0xbf: {  	_ =	task.clear_ibuf [dreg:s5], $0x2FFFF;
	_ =	strace $0x9FFFFFFF  }
0xc0: {  	(tm) =	ssettm $0x7FFFFFFF  }
0xc1: {  	_ =	shalt  }
tec
execute0_lowered:
.L_overlay_start_1:
0x0: {  	(tag) =	ssettag $0x1  }
0x1: {  	s2 =	rddreg [dreg:$0x0]  }
0x2: {  	s3 =	rddreg [dreg:$0x1]  }
0x3: {  	s0 =	rddreg [dreg:$0x2];
	_ =	strace $0x8000004A;
	s4 =	stileid.u32  }
0x4: {  	s5 =	simm.s32 $0x3E;
	s1 =	sadd.s32 $0x2000, s2;
	p0 =	sne.s32 s4, $0x0  }
0x5: {  	[sflag:s5] =	ssyncpa.u1 $0x0;
	s6 =	simm.s32 @!p0 $0x1C3E;
	s7 =	simm.s32 @!p0 $0x0  }
0x6: {  	[spmem:s7], [sflag:s6] =	dma.local @!p0 [hbm:s1], $0x10  }
0x7: {  	s6 =	simm.s32 @!p0 $0x3E  }
0x8: {  	_ =	swait.ge @!p0 [sflag:s6], $0x10  }
0x9: {  	[sflag:s6] =	ssyncset.done @!p0 $0x0  }
0xa: {  	[sflag:s6] =	ssyncadd.s32 @!p0 $0xFFFFFFF0  }
0xb: {  	s28 =	simm.s32 $0x1;
	s29 =	simm.s32 $0x2;
	[bflag:$0x0] =	sbarrier.arrive $0xFFFF  }
0xc: {  	s31 =	simm.s32 $0x208;
	s30 =	sadd.s32 $0x1C00, s2;
	[sflag:s5] =	ssyncpa.u1 $0x1  }
0xd: {  	s4 =	sshll.u32 s4, $0x6;
	s2 =	simm.s32 $0x0;
	[sflag:s28] =	ssyncpa.u1 $0x0  }
0xe: {  	s3 =	sadd.s32 s3, s4;
	(ifvalue) =	ssetifvalue $0x80;
	[sflag:s29] =	ssyncpa.u1 $0x0  }
0xf: {  	[tilespmem:s31], [sflag:$0x2] =	stream.linear.gather [hbm4b:s3+s2], $0x200, $0x38;
	[tilespmem:$0x808] =	vst v63  }
0x10: {  	s4 =	sadd.s32 s30, s4;
	s3 =	simm.s32 $0x608  }
0x11: {  	[tilespmem:s3], [sflag:$0x2] =	stream.linear.gather [hbm4b:s4+s2], $0x200, $0x38;
	[tilespmem:$0x808] =	vst v63  }
0x12: {  	_ =	swait.ge [sflag:s29], $0x400  }
0x13: {  	[sflag:s29] =	ssyncset.done $0x0  }
0x14: {  	[sflag:s29] =	ssyncadd.s32 $0xFFFFFC00  }
0x15: {  	v0 =	vld.msk [tilespmem:s31+$0x0 ss:$0x1], $0xffff;
	_ =	sdelay $0x4  }
0x16: {  	v0 =	vmin.u32 v0, $0x80;
	_ =	sdelay $0x3  }
0x17: {  	vm0 =	vmmov $0xffff;
	s5 =	simm.s32 $0x218;
	s4 =	simm.s32 $0x0  }
0x18: {  	[spmem:s2] =	stream.indirect_vreg.scatter.add.s32 [tilespmem:s3], [sflag:$0x1], $0x1, v0, vm0, $0x4038;
	[tilespmem:$0x808] =	vst v63  }
.LBB2_1:
0x19: {  	v0 =	vld.msk [tilespmem:s5+$0x0 ss:$0x1], $0xffff;
	s4 =	sadd.s32 $0x10, s4  }
0x1a: {  	p1 =	slt.u32 s4, $0x1F0;
	_ =	sdelay $0x4  }
0x1b: {  	v0 =	vmin.u32 v0, $0x80  }
.Ltmp0:
0x1c: {  	(pc) =	sbr.rel @p1 .LBB2_1-.Ltmp0, $3  }
0x1d: {  	_ =	sdelay $0x1  }
0x1e: {  	s5 =	sadd.s32 $0x10, s5;
	s3 =	sadd.s32 $0x10, s3  }
0x1f: {  	[spmem:s2] =	stream.indirect_vreg.scatter.add.s32 [tilespmem:s3], [sflag:$0x1], $0x1, v0, vm0, $0x4038;
	[tilespmem:$0x808] =	vst v63  }
0x20: {  	s2 =	simm.s32 $0x1  }
0x21: {  	_ =	swait.ge [sflag:s2], $0x200  }
0x22: {  	[sflag:s2] =	ssyncset.done $0x0  }
0x23: {  	[sflag:s2] =	ssyncadd.s32 $0xFFFFFE00  }
0x24: {  	_ =	sfence.sel $0x180000  }
0x25: {  	s3 =	simm.s32 $0x2;
	[bflag:$0x0] =	sbarrier.arrive $0xFFFF  }
0x26: {  	[sflag:s3] =	ssyncpa.u1 $0x1  }
0x27: {  	[sflag:s2] =	ssyncpa.u1 $0x1  }
0x28: {  	_ =	sfence.stream.spmem  }
0x29: {  	s31 =	simm.s32 $0x3D;
	[bflag:$0x0] =	sbarrier.arrive $0xFFFF  }
0x2a: {  	s2 =	simm.s32 @p0 $0x3D;
	[sflag:s31] =	ssyncpa.u1 $0x0  }
0x2b: {  	[sflag:s2] =	ssyncpa.u1 @p0 $0x1  }
0x2c: {  	[bflag:$0x0] =	sbarrier.arrive @p0 $0xFFFF  }
0x2d: {  	_ =	strace @p0 $0x9000004A  }
0x2e: {  	s3 =	simm.s32 @!p0 $0x1C3D;
	s2 =	simm.s32 @!p0 $0x0;
	[bflag:$0x2] =	sbarrier.arrive @p0 $0xFFFF  }
0x2f: {  	[hbm:s1], [sflag:s3] =	dma.local @!p0 [spmem:s2], $0x10  }
0x30: {  	s1 =	simm.s32 @!p0 $0x3D  }
0x31: {  	_ =	swait.ge @!p0 [sflag:s1], $0x10  }
0x32: {  	[sflag:s1] =	ssyncset.done @!p0 $0x0  }
0x33: {  	[sflag:s1] =	ssyncadd.s32 @!p0 $0xFFFFFFF0  }
0x34: {  	[sflag:s1] =	ssyncpa.u1 @!p0 $0x1  }
0x35: {  	[bflag:$0x0] =	sbarrier.arrive @!p0 $0xFFFF  }
0x36: {  	_ =	strace @!p0 $0x9000004A  }
0x37: {  	s0 =	sadd.s32 @!p0 $0x100000, s0;
	[bflag:$0x2] =	sbarrier.arrive @!p0 $0xFFFF  }
0x38: {  	[sflag:s0] =	ssyncadd.tile.s32 @!p0 $0x1;
	_ =	shalt  }
.Lfunc_end2:
_tile_overlayer_lowered:
.L_overlay_start_2:
0x39: {  	(tag) =	ssettag $0x2  }
0x3a: {  	s0 =	rddreg [dreg:$0x0];
	s2 =	stileid.u32  }
0x3b: {  	s1 =	rddreg [dreg:$0x1];
	p0 =	sne.s32 s2, $0x0  }
0x3c: {  	s3 =	rddreg [dreg:$0x2];
	[bflag:$0x3] =	sbarrier.arrive $0xFFFF;
	s2 =	simm.s32 @!p0 $0x1C01  }
0x3d: {  	[timem:s3], [sflag:s2] =	dma.local @!p0 [hbm:s0], s1  }
0x3e: {  	s0 =	simm.s32 @!p0 $0x1  }
0x3f: {  	_ =	swait.ge @!p0 [sflag:s0], s1  }
0x40: {  	s1 =	ssub.s32 @!p0 $0x0, s1;
	[sflag:s0] =	ssyncset.done @!p0 $0x0  }
0x41: {  	[sflag:s0] =	ssyncadd.s32 @!p0 s1  }
0x42: {  	[bflag:$0x3] =	sbarrier.arrive $0xFFFF  }
0x43: {  	_ =	shalt  }

</sc_bundles>
